<compile_context>
chip_gen: v7x
topology: tpu7x:2x2x1
jax: 0.10.2.dev20260603
libtpu: 0.0.44.dev20260713+nightly
codegen_flags: <defaults>
</compile_context>

<pallas_src>
import functools

import jax
import jax.numpy as jnp
from jax import lax
from jax.experimental import pallas as pl
from jax.experimental.pallas import tpu as pltpu
from jax.experimental.pallas import tpu_sc as plsc

BSZ = 64
NPG = 64
EPG = 1024
IN_FEAT = 128
HID = 128
EF = 16
HEADS = 8
POS = NPG * NPG
F32 = jnp.float32

NUM_TILES = 32
GPT = BSZ // NUM_TILES
OPT = GPT * POS
EPT = GPT * EPG
LANES = 16


BF16 = jnp.bfloat16


def _dot(a, b):
    return jnp.dot(a.astype(BF16), b.astype(BF16), preferred_element_type=F32)


def _dotx(a, b):
    return jnp.dot(a, b, preferred_element_type=F32,
                   precision=lax.Precision.HIGHEST)


def _graph_kernel(x_ref, ea_ref, srcc_ref, dstc_ref, dstr_ref, keyc_ref,
                  keyr_ref, atomW_ref, atomb_ref, bondW_ref, bondb_ref,
                  gW_ref, gb_ref, W1a_ref, W1e_ref, b1_ref, W2_ref, b2_ref,
                  outd_ref, ve_ref, idx_ref):
    h = _dot(x_ref[...], atomW_ref[...]) + atomb_ref[...]
    ea = _dot(ea_ref[...], bondW_ref[...]) + bondb_ref[...]

    srcc = srcc_ref[0]
    dstc = dstc_ref[0]
    dstr = dstr_ref[0]
    col_n = lax.broadcasted_iota(jnp.int32, (EPG, NPG), 1)
    src_oh = jnp.where(srcc == col_n, 1.0, 0.0)
    dst_oh = jnp.where(dstc == col_n, 1.0, 0.0)
    row_n = lax.broadcasted_iota(jnp.int32, (NPG, EPG), 0)
    dst_ohT = jnp.where(row_n == dstr, 1.0, 0.0)

    for l in range(3):
        t = jax.nn.relu(_dot(ea, gW_ref[4 * l]) + gb_ref[4 * l])
        e = _dot(t, gW_ref[4 * l + 1]) + gb_ref[4 * l + 1]
        msg = jax.nn.relu(_dotx(src_oh, h) + e)
        aggr = _dotx(dst_ohT, msg)
        h2 = h + aggr
        h2 = jax.nn.relu(_dot(h2, gW_ref[4 * l + 2]) + gb_ref[4 * l + 2])
        h2 = _dot(h2, gW_ref[4 * l + 3]) + gb_ref[4 * l + 3]
        if l < 2:
            h2 = jax.nn.relu(h2)
        h = h2

    W1a = W1a_ref[...]
    b1 = b1_ref[...]
    W2 = W2_ref[...]
    b2 = b2_ref[...]
    sel = jnp.where(
        lax.broadcasted_iota(jnp.int32, (HID, HEADS), 0) % HEADS
        == lax.broadcasted_iota(jnp.int32, (HID, HEADS), 1), 1.0, 0.0)

    hb = h.astype(BF16).astype(F32)
    hn = jnp.broadcast_to(hb[:, None, :], (NPG, NPG, HID)).reshape(POS, HID)
    hm = jnp.broadcast_to(hb[None, :, :], (NPG, NPG, HID)).reshape(POS, HID)
    attn8 = _dotx(hn * hm, sel)
    zd = _dot(attn8, W1a) + b1
    outd_ref[...] = _dot(jax.nn.relu(zd), W2) + b2

    hs = _dotx(src_oh, hb)
    hd = _dotx(dst_oh, hb)
    attn8e = _dotx(hs * hd, sel)
    ze = _dot(attn8e, W1a) + b1 + _dot(ea, W1e_ref[...])
    ve_ref[...] = _dot(jax.nn.relu(ze), W2) + b2

    keyc = keyc_ref[0]
    keyr = keyr_ref[0]
    e_row = lax.broadcasted_iota(jnp.int32, (EPG, EPG), 0)
    e_col = lax.broadcasted_iota(jnp.int32, (EPG, EPG), 1)
    later_dup = (keyc == keyr) & (e_col > e_row)
    dupcnt = jnp.sum(jnp.where(later_dup, 1.0, 0.0), axis=1, keepdims=True)
    off = (lax.rem(pl.program_id(0), GPT)) * POS
    idx_ref[...] = jnp.where(dupcnt == 0.0, keyc + off, OPT)


def _scatter_sc_kernel(outd_hbm, idx_hbm, ve_hbm, out_hbm,
                       dense_v, idx_v, ve_v):
    wid = lax.axis_index("s") * 2 + lax.axis_index("c")
    pltpu.sync_copy(outd_hbm.at[pl.ds(wid * OPT, OPT)], dense_v)
    pltpu.sync_copy(idx_hbm.at[pl.ds(wid * EPT, EPT)], idx_v)
    pltpu.sync_copy(ve_hbm.at[pl.ds(wid * EPT, EPT)], ve_v)
    for j in range(EPT // LANES):
        iv = idx_v[pl.ds(j * LANES, LANES)]
        vv = ve_v[pl.ds(j * LANES, LANES)]
        plsc.store_scatter(dense_v, [iv], vv, mask=iv < OPT)
    pltpu.sync_copy(dense_v, out_hbm.at[pl.ds(wid * OPT, OPT)])


def _scatter_sc(outd, idx, ve):
    run = functools.partial(
        pl.kernel,
        out_type=jax.ShapeDtypeStruct((BSZ * POS,), F32),
        mesh=plsc.VectorSubcoreMesh(core_axis_name="c", subcore_axis_name="s"),
        compiler_params=pltpu.CompilerParams(needs_layout_passes=False),
        scratch_types=[
            pltpu.VMEM((OPT,), F32),
            pltpu.VMEM((EPT,), jnp.int32),
            pltpu.VMEM((EPT,), F32),
        ],
    )(_scatter_sc_kernel)
    return run(outd, idx, ve)


def _tc_stage(x, edge_attr, params, edge_index, batch):
    src = edge_index[0]
    dst = edge_index[1]
    src_l = jnp.remainder(src, NPG).astype(jnp.int32)
    dst_l = jnp.remainder(dst, NPG).astype(jnp.int32)
    key = src_l * NPG + dst_l
    srcc = src_l.reshape(BSZ, EPG, 1)
    dstc = dst_l.reshape(BSZ, EPG, 1)
    dstr = dst_l.reshape(BSZ, 1, EPG)
    keyc = key.reshape(BSZ, EPG, 1)
    keyr = key.reshape(BSZ, 1, EPG)

    p = params
    gWs = jnp.stack([p['gnn'][l][k] for l in range(3)
                     for k in ('be_W1', 'be_W2', 'nn_W1', 'nn_W2')])
    gbs = jnp.stack([p['gnn'][l][k] for l in range(3)
                     for k in ('be_b1', 'be_b2', 'nn_b1', 'nn_b2')])
    gbs = gbs.reshape(12, 1, HID)
    fd = HID // HEADS
    W1a = p['mlp_W1'][:HEADS] * (1.0 / (fd ** 0.5))
    W1e = p['mlp_W1'][HEADS:]
    b1 = p['mlp_b1'].reshape(1, HID)
    W2 = p['mlp_W2']
    b2 = p['mlp_b2'].reshape(1, 1)
    atomb = p['atom_b'].reshape(1, HID)
    bondb = p['bond_b'].reshape(1, HID)

    full2 = lambda g: (0, 0)
    full3 = lambda g: (0, 0, 0)
    outd, ve, idx = pl.pallas_call(
        _graph_kernel,
        grid=(BSZ,),
        in_specs=[
            pl.BlockSpec((NPG, IN_FEAT), lambda g: (g, 0)),
            pl.BlockSpec((EPG, EF), lambda g: (g, 0)),
            pl.BlockSpec((1, EPG, 1), lambda g: (g, 0, 0)),
            pl.BlockSpec((1, EPG, 1), lambda g: (g, 0, 0)),
            pl.BlockSpec((1, 1, EPG), lambda g: (g, 0, 0)),
            pl.BlockSpec((1, EPG, 1), lambda g: (g, 0, 0)),
            pl.BlockSpec((1, 1, EPG), lambda g: (g, 0, 0)),
            pl.BlockSpec((IN_FEAT, HID), full2),
            pl.BlockSpec((1, HID), full2),
            pl.BlockSpec((EF, HID), full2),
            pl.BlockSpec((1, HID), full2),
            pl.BlockSpec((12, HID, HID), full3),
            pl.BlockSpec((12, 1, HID), full3),
            pl.BlockSpec((HEADS, HID), full2),
            pl.BlockSpec((HID, HID), full2),
            pl.BlockSpec((1, HID), full2),
            pl.BlockSpec((HID, 1), full2),
            pl.BlockSpec((1, 1), full2),
        ],
        out_specs=[
            pl.BlockSpec((POS, 1), lambda g: (g, 0)),
            pl.BlockSpec((EPG, 1), lambda g: (g, 0)),
            pl.BlockSpec((EPG, 1), lambda g: (g, 0)),
        ],
        out_shape=[
            jax.ShapeDtypeStruct((BSZ * POS, 1), F32),
            jax.ShapeDtypeStruct((BSZ * EPG, 1), F32),
            jax.ShapeDtypeStruct((BSZ * EPG, 1), jnp.int32),
        ],
    )(x, edge_attr, srcc, dstc, dstr, keyc, keyr,
      p['atom_W'], atomb, p['bond_W'], bondb, gWs, gbs,
      W1a, W1e, b1, W2, b2)
    return outd, ve, idx


def kernel(x, edge_attr, params, edge_index, batch):
    outd, ve, idx = _tc_stage(x, edge_attr, params, edge_index, batch)
    out = _scatter_sc(outd.reshape(BSZ * POS),
                      idx.reshape(BSZ * EPG),
                      ve.reshape(BSZ * EPG))
    emb = out.reshape(BSZ, NPG, NPG, 1)
    mask = jnp.ones((BSZ, NPG, NPG), F32)
    return emb, mask

# --- scband reference (transcript-rebuilt; emitter-appended) ---
"""Pipeline reference for scband-linear-embed-59794534695066 (READ-ONLY COPY).

The authoritative reference and input builder live on the scoring server;
editing this copy changes nothing except your own understanding.
"""

import jax, jax.numpy as jnp
import numpy as np

BSZ = 64       # graphs per batch
NPG = 64       # nodes per graph (Nmax, all graphs full so to_dense_batch mask is all-true)
N = BSZ * NPG  # 4096 total nodes
EPG = 1024     # edges per graph (avg degree 16)
E = BSZ * EPG  # 65536 edges
IN_FEAT = 128
HID = 128
EF = 16
HEADS = 8
LAYERS = 3
ENSEMBLE = 1


def _lin_init(key, fan_in, fan_out):
    s = 1.0 / np.sqrt(fan_in)
    kw, kb = jax.random.split(key)
    W = jax.random.uniform(kw, (fan_in, fan_out), minval=-s, maxval=s, dtype=jnp.float32)
    b = jax.random.uniform(kb, (fan_out,), minval=-s, maxval=s, dtype=jnp.float32)
    return W, b


def setup_inputs(seed: int = 0) -> dict:
    key = jax.random.key(seed)
    ks = jax.random.split(key, 64)
    x = jax.random.normal(ks[0], (N, IN_FEAT), dtype=jnp.float32)
    edge_attr = jax.random.normal(ks[1], (E, EF), dtype=jnp.float32)
    # within-graph random edges, lifted to global node ids
    src_l = jax.random.randint(ks[2], (E,), 0, NPG)
    dst_l = jax.random.randint(ks[3], (E,), 0, NPG)
    g = jnp.repeat(jnp.arange(BSZ), EPG)
    edge_index = jnp.stack([src_l + g * NPG, dst_l + g * NPG]).astype(jnp.int32)
    batch = jnp.repeat(jnp.arange(BSZ), NPG).astype(jnp.int32)

    i = 4
    params = {}
    params['atom_W'], params['atom_b'] = _lin_init(ks[i], IN_FEAT, HID); i += 1
    params['bond_W'], params['bond_b'] = _lin_init(ks[i], EF, HID); i += 1
    gnn = []
    for l in range(LAYERS):
        layer = {}
        layer['be_W1'], layer['be_b1'] = _lin_init(ks[i], HID, HID); i += 1
        layer['be_W2'], layer['be_b2'] = _lin_init(ks[i], HID, HID); i += 1
        layer['nn_W1'], layer['nn_b1'] = _lin_init(ks[i], HID, HID); i += 1
        layer['nn_W2'], layer['nn_b2'] = _lin_init(ks[i], HID, HID); i += 1
        gnn.append(layer)
    params['gnn'] = gnn
    mlp_in = HEADS + HID  # 'inner' tuple type + emb_edge
    params['mlp_W1'], params['mlp_b1'] = _lin_init(ks[i], mlp_in, HID); i += 1
    params['mlp_W2'], params['mlp_b2'] = _lin_init(ks[i], HID, ENSEMBLE); i += 1
    return {'x': x, 'edge_attr': edge_attr, 'params': params,
            'edge_index': edge_index, 'batch': batch}


def _forward(x, edge_attr, params, edge_index, batch):
    # atom_encoder (Linear) + bond_encoder (Linear edge_features -> hid)
    h = x @ params['atom_W'] + params['atom_b']
    ea = edge_attr @ params['bond_W'] + params['bond_b']
    src, dst = edge_index[0], edge_index[1]
    # GINEConv stack: msg = relu(x_src + bond_mlp(ea)); scatter-add to dst; nn((1+eps)x + aggr)
    for li, layer in enumerate(params['gnn']):
        e = jax.nn.relu(ea @ layer['be_W1'] + layer['be_b1']) @ layer['be_W2'] + layer['be_b2']
        msg = jax.nn.relu(h[src] + e)
        aggr = jax.ops.segment_sum(msg, dst, num_segments=N)
        h2 = h + aggr  # eps = 0
        h2 = jax.nn.relu(h2 @ layer['nn_W1'] + layer['nn_b1']) @ layer['nn_W2'] + layer['nn_b2']
        if li < LAYERS - 1:
            h2 = jax.nn.relu(h2)  # BatchNorm treated as identity (eval stats), then ReLU
        h = h2
    # to_dense_batch: equal-size graphs -> plain reshape, mask all true
    logits = h.reshape(BSZ, NPG, HID)
    real = jnp.ones((BSZ, NPG), dtype=jnp.float32)
    real_node_node_mask = jnp.einsum('bn,bm->bnm', real, real)
    # tuple_type == 'inner'
    fd = HID // HEADS
    lg = logits.reshape(BSZ, NPG, fd, HEADS)
    attn = jnp.einsum('bnfh,bmfh->bnmh', lg, lg) / (fd ** 0.5)
    # emb_edge: scatter encoded edge_attr into dense [B, Nmax, Nmax, hid]
    g_e = batch[src]
    src_l = src - g_e * NPG
    dst_l = dst - g_e * NPG
    edge_embeddings = jnp.zeros((BSZ, NPG, NPG, HID), dtype=jnp.float32)
    edge_embeddings = edge_embeddings.at[g_e, src_l, dst_l].set(ea)
    emb = jnp.concatenate([attn, edge_embeddings], axis=-1)
    emb = jax.nn.relu(emb @ params['mlp_W1'] + params['mlp_b1']) @ params['mlp_W2'] + params['mlp_b2']
    return emb, real_node_node_mask


def reference(x, edge_attr, params, edge_index, batch):
    return _forward(x, edge_attr, params, edge_index, batch)

if __name__ == "__main__":
    import jax
    _d = setup_inputs()
    print(jax.jit(kernel)(*tuple(_d.values())))

</pallas_src>

<mosaic_0001>
#map = affine_map<(d0, d1) -> (0)>
module attributes {stable_mosaic.version = 14 : i64} {
  func.func @_scatter_sc_kernel(%arg0: i32, %arg1: i32, %arg2: memref<262144xf32, #tpu.memory_space<hbm>>, %arg3: memref<65536xi32, #tpu.memory_space<hbm>>, %arg4: memref<65536xf32, #tpu.memory_space<hbm>>, %arg5: memref<262144xf32, #tpu.memory_space<hbm>>, %arg6: memref<8192xf32, #tpu.memory_space<vmem>>, %arg7: memref<2048xi32, #tpu.memory_space<vmem>>, %arg8: memref<2048xf32, #tpu.memory_space<vmem>>) attributes {dimension_semantics = [#tpu.dimension_semantics<core_parallel>, #tpu.dimension_semantics<subcore_parallel>], iteration_bounds = array<i64: 2, 16>, scalar_prefetch = 0 : i64, scratch_operands = 3 : i64, tpu.core_type = #tpu.core_type<sc_vector_subcore>, window_params = [{transform_indices = #map}, {transform_indices = #map}, {transform_indices = #map}, {transform_indices = #map}]} {
    %mul3A = arith.constant 2 : i32
    %mul3A_0 = arith.muli %arg1, %mul3A : i32
    %add3A = arith.addi %mul3A_0, %arg0 : i32
    %mul3A_1 = arith.constant 8192 : i32
    %mul3A_2 = arith.muli %add3A, %mul3A_1 : i32
    "tpu.region"() ({
      %run_scoped3A = tpu.sem_alloc : memref<!tpu.dma_semaphore, #tpu.memory_space<semaphore_mem>>
      %dma_start3A = tpu.memref_slice %arg2[%mul3A_2] : memref<262144xf32, #tpu.memory_space<hbm>> -> memref<8192xf32, #tpu.memory_space<hbm>>
      %dma_start3A_903 = tpu.memref_slice %arg2[%mul3A_2] : memref<262144xf32, #tpu.memory_space<hbm>> -> memref<8192xf32, #tpu.memory_space<hbm>>
      tpu.enqueue_dma source(%dma_start3A_903 : memref<8192xf32, #tpu.memory_space<hbm>>) target(%arg6 : memref<8192xf32, #tpu.memory_space<vmem>>) target_semaphore(%run_scoped3A : memref<!tpu.dma_semaphore, #tpu.memory_space<semaphore_mem>>)
      %dma_wait3A = tpu.memref_slice %arg2[%mul3A_2] : memref<262144xf32, #tpu.memory_space<hbm>> -> memref<8192xf32, #tpu.memory_space<hbm>>
      %dma_wait3A_904 = tpu.memref_slice %arg2[%mul3A_2] : memref<262144xf32, #tpu.memory_space<hbm>> -> memref<8192xf32, #tpu.memory_space<hbm>>
      tpu.wait_dma2 semaphore(%run_scoped3A : memref<!tpu.dma_semaphore, #tpu.memory_space<semaphore_mem>>) src(%dma_wait3A_904 : memref<8192xf32, #tpu.memory_space<hbm>>) dst(%arg6 : memref<8192xf32, #tpu.memory_space<vmem>>)
      tpu.yield
    }) : () -> ()
    %mul3A_3 = arith.constant 2048 : i32
    %mul3A_4 = arith.muli %add3A, %mul3A_3 : i32
    "tpu.region"() ({
      %run_scoped3A = tpu.sem_alloc : memref<!tpu.dma_semaphore, #tpu.memory_space<semaphore_mem>>
      %dma_start3A = tpu.memref_slice %arg3[%mul3A_4] : memref<65536xi32, #tpu.memory_space<hbm>> -> memref<2048xi32, #tpu.memory_space<hbm>>
      %dma_start3A_903 = tpu.memref_slice %arg3[%mul3A_4] : memref<65536xi32, #tpu.memory_space<hbm>> -> memref<2048xi32, #tpu.memory_space<hbm>>
      tpu.enqueue_dma source(%dma_start3A_903 : memref<2048xi32, #tpu.memory_space<hbm>>) target(%arg7 : memref<2048xi32, #tpu.memory_space<vmem>>) target_semaphore(%run_scoped3A : memref<!tpu.dma_semaphore, #tpu.memory_space<semaphore_mem>>)
      %dma_wait3A = tpu.memref_slice %arg3[%mul3A_4] : memref<65536xi32, #tpu.memory_space<hbm>> -> memref<2048xi32, #tpu.memory_space<hbm>>
      %dma_wait3A_904 = tpu.memref_slice %arg3[%mul3A_4] : memref<65536xi32, #tpu.memory_space<hbm>> -> memref<2048xi32, #tpu.memory_space<hbm>>
      tpu.wait_dma2 semaphore(%run_scoped3A : memref<!tpu.dma_semaphore, #tpu.memory_space<semaphore_mem>>) src(%dma_wait3A_904 : memref<2048xi32, #tpu.memory_space<hbm>>) dst(%arg7 : memref<2048xi32, #tpu.memory_space<vmem>>)
      tpu.yield
    }) : () -> ()
    %mul3A_5 = arith.constant 2048 : i32
    %mul3A_6 = arith.muli %add3A, %mul3A_5 : i32
    "tpu.region"() ({
      %run_scoped3A = tpu.sem_alloc : memref<!tpu.dma_semaphore, #tpu.memory_space<semaphore_mem>>
      %dma_start3A = tpu.memref_slice %arg4[%mul3A_6] : memref<65536xf32, #tpu.memory_space<hbm>> -> memref<2048xf32, #tpu.memory_space<hbm>>
      %dma_start3A_903 = tpu.memref_slice %arg4[%mul3A_6] : memref<65536xf32, #tpu.memory_space<hbm>> -> memref<2048xf32, #tpu.memory_space<hbm>>
      tpu.enqueue_dma source(%dma_start3A_903 : memref<2048xf32, #tpu.memory_space<hbm>>) target(%arg8 : memref<2048xf32, #tpu.memory_space<vmem>>) target_semaphore(%run_scoped3A : memref<!tpu.dma_semaphore, #tpu.memory_space<semaphore_mem>>)
      %dma_wait3A = tpu.memref_slice %arg4[%mul3A_6] : memref<65536xf32, #tpu.memory_space<hbm>> -> memref<2048xf32, #tpu.memory_space<hbm>>
      %dma_wait3A_904 = tpu.memref_slice %arg4[%mul3A_6] : memref<65536xf32, #tpu.memory_space<hbm>> -> memref<2048xf32, #tpu.memory_space<hbm>>
      tpu.wait_dma2 semaphore(%run_scoped3A : memref<!tpu.dma_semaphore, #tpu.memory_space<semaphore_mem>>) src(%dma_wait3A_904 : memref<2048xf32, #tpu.memory_space<hbm>>) dst(%arg8 : memref<2048xf32, #tpu.memory_space<vmem>>)
      tpu.yield
    }) : () -> ()
    %get3A = arith.constant 0 : index
    %get3A_7 = tpu.vector_load %arg7[%get3A] {strides = array<i32>} : memref<2048xi32, #tpu.memory_space<vmem>>, vector<16xi32>,
    %get3A_8 = arith.constant 0 : index
    %get3A_9 = tpu.vector_load %arg8[%get3A_8] {strides = array<i32>} : memref<2048xf32, #tpu.memory_space<vmem>>, vector<16xf32>,
    %lt3A = arith.constant 8192 : i32
    %lt3A_10 = vector.broadcast %lt3A : i32 to vector<16xi32>
    %lt3A_11 = arith.cmpi slt, %get3A_7, %lt3A_10 : vector<16xi32>
    tpu.vector_store_idx %arg6[%get3A_7], %get3A_9 masked %lt3A_11 : memref<8192xf32, #tpu.memory_space<vmem>>[vector<16xi32>], vector<16xf32>, vector<16xi1>
    %get3A_12 = arith.constant 16 : index
    %get3A_13 = tpu.vector_load %arg7[%get3A_12] {strides = array<i32>} : memref<2048xi32, #tpu.memory_space<vmem>>, vector<16xi32>,
    %get3A_14 = arith.constant 16 : index
    %get3A_15 = tpu.vector_load %arg8[%get3A_14] {strides = array<i32>} : memref<2048xf32, #tpu.memory_space<vmem>>, vector<16xf32>,
    %lt3A_16 = arith.constant 8192 : i32
    %lt3A_17 = vector.broadcast %lt3A_16 : i32 to vector<16xi32>
    %lt3A_18 = arith.cmpi slt, %get3A_13, %lt3A_17 : vector<16xi32>
    tpu.vector_store_idx %arg6[%get3A_13], %get3A_15 masked %lt3A_18 : memref<8192xf32, #tpu.memory_space<vmem>>[vector<16xi32>], vector<16xf32>, vector<16xi1>
    %get3A_19 = arith.constant 32 : index
    %get3A_20 = tpu.vector_load %arg7[%get3A_19] {strides = array<i32>} : memref<2048xi32, #tpu.memory_space<vmem>>, vector<16xi32>,
    %get3A_21 = arith.constant 32 : index
    %get3A_22 = tpu.vector_load %arg8[%get3A_21] {strides = array<i32>} : memref<2048xf32, #tpu.memory_space<vmem>>, vector<16xf32>,
    %lt3A_23 = arith.constant 8192 : i32
    %lt3A_24 = vector.broadcast %lt3A_23 : i32 to vector<16xi32>
    %lt3A_25 = arith.cmpi slt, %get3A_20, %lt3A_24 : vector<16xi32>
    tpu.vector_store_idx %arg6[%get3A_20], %get3A_22 masked %lt3A_25 : memref<8192xf32, #tpu.memory_space<vmem>>[vector<16xi32>], vector<16xf32>, vector<16xi1>
    %get3A_26 = arith.constant 48 : index
    %get3A_27 = tpu.vector_load %arg7[%get3A_26] {strides = array<i32>} : memref<2048xi32, #tpu.memory_space<vmem>>, vector<16xi32>,
    %get3A_28 = arith.constant 48 : index
    %get3A_29 = tpu.vector_load %arg8[%get3A_28] {strides = array<i32>} : memref<2048xf32, #tpu.memory_space<vmem>>, vector<16xf32>,
    %lt3A_30 = arith.constant 8192 : i32
    %lt3A_31 = vector.broadcast %lt3A_30 : i32 to vector<16xi32>
    %lt3A_32 = arith.cmpi slt, %get3A_27, %lt3A_31 : vector<16xi32>
    tpu.vector_store_idx %arg6[%get3A_27], %get3A_29 masked %lt3A_32 : memref<8192xf32, #tpu.memory_space<vmem>>[vector<16xi32>], vector<16xf32>, vector<16xi1>
    %get3A_33 = arith.constant 64 : index
    %get3A_34 = tpu.vector_load %arg7[%get3A_33] {strides = array<i32>} : memref<2048xi32, #tpu.memory_space<vmem>>, vector<16xi32>,
    %get3A_35 = arith.constant 64 : index
    %get3A_36 = tpu.vector_load %arg8[%get3A_35] {strides = array<i32>} : memref<2048xf32, #tpu.memory_space<vmem>>, vector<16xf32>,
    %lt3A_37 = arith.constant 8192 : i32
    %lt3A_38 = vector.broadcast %lt3A_37 : i32 to vector<16xi32>
    %lt3A_39 = arith.cmpi slt, %get3A_34, %lt3A_38 : vector<16xi32>
    tpu.vector_store_idx %arg6[%get3A_34], %get3A_36 masked %lt3A_39 : memref<8192xf32, #tpu.memory_space<vmem>>[vector<16xi32>], vector<16xf32>, vector<16xi1>
    %get3A_40 = arith.constant 80 : index
    %get3A_41 = tpu.vector_load %arg7[%get3A_40] {strides = array<i32>} : memref<2048xi32, #tpu.memory_space<vmem>>, vector<16xi32>,
    %get3A_42 = arith.constant 80 : index
    %get3A_43 = tpu.vector_load %arg8[%get3A_42] {strides = array<i32>} : memref<2048xf32, #tpu.memory_space<vmem>>, vector<16xf32>,
    %lt3A_44 = arith.constant 8192 : i32
    %lt3A_45 = vector.broadcast %lt3A_44 : i32 to vector<16xi32>
    %lt3A_46 = arith.cmpi slt, %get3A_41, %lt3A_45 : vector<16xi32>
    tpu.vector_store_idx %arg6[%get3A_41], %get3A_43 masked %lt3A_46 : memref<8192xf32, #tpu.memory_space<vmem>>[vector<16xi32>], vector<16xf32>, vector<16xi1>
    %get3A_47 = arith.constant 96 : index
    %get3A_48 = tpu.vector_load %arg7[%get3A_47] {strides = array<i32>} : memref<2048xi32, #tpu.memory_space<vmem>>, vector<16xi32>,
    %get3A_49 = arith.constant 96 : index
    %get3A_50 = tpu.vector_load %arg8[%get3A_49] {strides = array<i32>} : memref<2048xf32, #tpu.memory_space<vmem>>, vector<16xf32>,
    %lt3A_51 = arith.constant 8192 : i32
    %lt3A_52 = vector.broadcast %lt3A_51 : i32 to vector<16xi32>
    %lt3A_53 = arith.cmpi slt, %get3A_48, %lt3A_52 : vector<16xi32>
    tpu.vector_store_idx %arg6[%get3A_48], %get3A_50 masked %lt3A_53 : memref<8192xf32, #tpu.memory_space<vmem>>[vector<16xi32>], vector<16xf32>, vector<16xi1>
    %get3A_54 = arith.constant 112 : index
    %get3A_55 = tpu.vector_load %arg7[%get3A_54] {strides = array<i32>} : memref<2048xi32, #tpu.memory_space<vmem>>, vector<16xi32>,
    %get3A_56 = arith.constant 112 : index
    %get3A_57 = tpu.vector_load %arg8[%get3A_56] {strides = array<i32>} : memref<2048xf32, #tpu.memory_space<vmem>>, vector<16xf32>,
    %lt3A_58 = arith.constant 8192 : i32
    %lt3A_59 = vector.broadcast %lt3A_58 : i32 to vector<16xi32>
    %lt3A_60 = arith.cmpi slt, %get3A_55, %lt3A_59 : vector<16xi32>
    tpu.vector_store_idx %arg6[%get3A_55], %get3A_57 masked %lt3A_60 : memref<8192xf32, #tpu.memory_space<vmem>>[vector<16xi32>], vector<16xf32>, vector<16xi1>
    %get3A_61 = arith.constant 128 : index
    %get3A_62 = tpu.vector_load %arg7[%get3A_61] {strides = array<i32>} : memref<2048xi32, #tpu.memory_space<vmem>>, vector<16xi32>,
    %get3A_63 = arith.constant 128 : index
    %get3A_64 = tpu.vector_load %arg8[%get3A_63] {strides = array<i32>} : memref<2048xf32, #tpu.memory_space<vmem>>, vector<16xf32>,
    %lt3A_65 = arith.constant 8192 : i32
    %lt3A_66 = vector.broadcast %lt3A_65 : i32 to vector<16xi32>
    %lt3A_67 = arith.cmpi slt, %get3A_62, %lt3A_66 : vector<16xi32>
    tpu.vector_store_idx %arg6[%get3A_62], %get3A_64 masked %lt3A_67 : memref<8192xf32, #tpu.memory_space<vmem>>[vector<16xi32>], vector<16xf32>, vector<16xi1>
    %get3A_68 = arith.constant 144 : index
    %get3A_69 = tpu.vector_load %arg7[%get3A_68] {strides = array<i32>} : memref<2048xi32, #tpu.memory_space<vmem>>, vector<16xi32>,
    %get3A_70 = arith.constant 144 : index
    %get3A_71 = tpu.vector_load %arg8[%get3A_70] {strides = array<i32>} : memref<2048xf32, #tpu.memory_space<vmem>>, vector<16xf32>,
    %lt3A_72 = arith.constant 8192 : i32
    %lt3A_73 = vector.broadcast %lt3A_72 : i32 to vector<16xi32>
    %lt3A_74 = arith.cmpi slt, %get3A_69, %lt3A_73 : vector<16xi32>
    tpu.vector_store_idx %arg6[%get3A_69], %get3A_71 masked %lt3A_74 : memref<8192xf32, #tpu.memory_space<vmem>>[vector<16xi32>], vector<16xf32>, vector<16xi1>
    %get3A_75 = arith.constant 160 : index
    %get3A_76 = tpu.vector_load %arg7[%get3A_75] {strides = array<i32>} : memref<2048xi32, #tpu.memory_space<vmem>>, vector<16xi32>,
    %get3A_77 = arith.constant 160 : index
    %get3A_78 = tpu.vector_load %arg8[%get3A_77] {strides = array<i32>} : memref<2048xf32, #tpu.memory_space<vmem>>, vector<16xf32>,
    %lt3A_79 = arith.constant 8192 : i32
    %lt3A_80 = vector.broadcast %lt3A_79 : i32 to vector<16xi32>
    %lt3A_81 = arith.cmpi slt, %get3A_76, %lt3A_80 : vector<16xi32>
    tpu.vector_store_idx %arg6[%get3A_76], %get3A_78 masked %lt3A_81 : memref<8192xf32, #tpu.memory_space<vmem>>[vector<16xi32>], vector<16xf32>, vector<16xi1>
    %get3A_82 = arith.constant 176 : index
    %get3A_83 = tpu.vector_load %arg7[%get3A_82] {strides = array<i32>} : memref<2048xi32, #tpu.memory_space<vmem>>, vector<16xi32>,
    %get3A_84 = arith.constant 176 : index
    %get3A_85 = tpu.vector_load %arg8[%get3A_84] {strides = array<i32>} : memref<2048xf32, #tpu.memory_space<vmem>>, vector<16xf32>,
    %lt3A_86 = arith.constant 8192 : i32
    %lt3A_87 = vector.broadcast %lt3A_86 : i32 to vector<16xi32>
    %lt3A_88 = arith.cmpi slt, %get3A_83, %lt3A_87 : vector<16xi32>
    tpu.vector_store_idx %arg6[%get3A_83], %get3A_85 masked %lt3A_88 : memref<8192xf32, #tpu.memory_space<vmem>>[vector<16xi32>], vector<16xf32>, vector<16xi1>
    %get3A_89 = arith.constant 192 : index
    %get3A_90 = tpu.vector_load %arg7[%get3A_89] {strides = array<i32>} : memref<2048xi32, #tpu.memory_space<vmem>>, vector<16xi32>,
    %get3A_91 = arith.constant 192 : index
    %get3A_92 = tpu.vector_load %arg8[%get3A_91] {strides = array<i32>} : memref<2048xf32, #tpu.memory_space<vmem>>, vector<16xf32>,
    %lt3A_93 = arith.constant 8192 : i32
    %lt3A_94 = vector.broadcast %lt3A_93 : i32 to vector<16xi32>
    %lt3A_95 = arith.cmpi slt, %get3A_90, %lt3A_94 : vector<16xi32>
    tpu.vector_store_idx %arg6[%get3A_90], %get3A_92 masked %lt3A_95 : memref<8192xf32, #tpu.memory_space<vmem>>[vector<16xi32>], vector<16xf32>, vector<16xi1>
    %get3A_96 = arith.constant 208 : index
    %get3A_97 = tpu.vector_load %arg7[%get3A_96] {strides = array<i32>} : memref<2048xi32, #tpu.memory_space<vmem>>, vector<16xi32>,
    %get3A_98 = arith.constant 208 : index
    %get3A_99 = tpu.vector_load %arg8[%get3A_98] {strides = array<i32>} : memref<2048xf32, #tpu.memory_space<vmem>>, vector<16xf32>,
    %lt3A_100 = arith.constant 8192 : i32
    %lt3A_101 = vector.broadcast %lt3A_100 : i32 to vector<16xi32>
    %lt3A_102 = arith.cmpi slt, %get3A_97, %lt3A_101 : vector<16xi32>
    tpu.vector_store_idx %arg6[%get3A_97], %get3A_99 masked %lt3A_102 : memref<8192xf32, #tpu.memory_space<vmem>>[vector<16xi32>], vector<16xf32>, vector<16xi1>
    %get3A_103 = arith.constant 224 : index
    %get3A_104 = tpu.vector_load %arg7[%get3A_103] {strides = array<i32>} : memref<2048xi32, #tpu.memory_space<vmem>>, vector<16xi32>,
    %get3A_105 = arith.constant 224 : index
    %get3A_106 = tpu.vector_load %arg8[%get3A_105] {strides = array<i32>} : memref<2048xf32, #tpu.memory_space<vmem>>, vector<16xf32>,
    %lt3A_107 = arith.constant 8192 : i32
    %lt3A_108 = vector.broadcast %lt3A_107 : i32 to vector<16xi32>
    %lt3A_109 = arith.cmpi slt, %get3A_104, %lt3A_108 : vector<16xi32>
    tpu.vector_store_idx %arg6[%get3A_104], %get3A_106 masked %lt3A_109 : memref<8192xf32, #tpu.memory_space<vmem>>[vector<16xi32>], vector<16xf32>, vector<16xi1>
    %get3A_110 = arith.constant 240 : index
    %get3A_111 = tpu.vector_load %arg7[%get3A_110] {strides = array<i32>} : memref<2048xi32, #tpu.memory_space<vmem>>, vector<16xi32>,
    %get3A_112 = arith.constant 240 : index
    %get3A_113 = tpu.vector_load %arg8[%get3A_112] {strides = array<i32>} : memref<2048xf32, #tpu.memory_space<vmem>>, vector<16xf32>,
    %lt3A_114 = arith.constant 8192 : i32
    %lt3A_115 = vector.broadcast %lt3A_114 : i32 to vector<16xi32>
    %lt3A_116 = arith.cmpi slt, %get3A_111, %lt3A_115 : vector<16xi32>
    tpu.vector_store_idx %arg6[%get3A_111], %get3A_113 masked %lt3A_116 : memref<8192xf32, #tpu.memory_space<vmem>>[vector<16xi32>], vector<16xf32>, vector<16xi1>
    %get3A_117 = arith.constant 256 : index
    %get3A_118 = tpu.vector_load %arg7[%get3A_117] {strides = array<i32>} : memref<2048xi32, #tpu.memory_space<vmem>>, vector<16xi32>,
    %get3A_119 = arith.constant 256 : index
    %get3A_120 = tpu.vector_load %arg8[%get3A_119] {strides = array<i32>} : memref<2048xf32, #tpu.memory_space<vmem>>, vector<16xf32>,
    %lt3A_121 = arith.constant 8192 : i32
    %lt3A_122 = vector.broadcast %lt3A_121 : i32 to vector<16xi32>
    %lt3A_123 = arith.cmpi slt, %get3A_118, %lt3A_122 : vector<16xi32>
    tpu.vector_store_idx %arg6[%get3A_118], %get3A_120 masked %lt3A_123 : memref<8192xf32, #tpu.memory_space<vmem>>[vector<16xi32>], vector<16xf32>, vector<16xi1>
    %get3A_124 = arith.constant 272 : index
    %get3A_125 = tpu.vector_load %arg7[%get3A_124] {strides = array<i32>} : memref<2048xi32, #tpu.memory_space<vmem>>, vector<16xi32>,
    %get3A_126 = arith.constant 272 : index
    %get3A_127 = tpu.vector_load %arg8[%get3A_126] {strides = array<i32>} : memref<2048xf32, #tpu.memory_space<vmem>>, vector<16xf32>,
    %lt3A_128 = arith.constant 8192 : i32
    %lt3A_129 = vector.broadcast %lt3A_128 : i32 to vector<16xi32>
    %lt3A_130 = arith.cmpi slt, %get3A_125, %lt3A_129 : vector<16xi32>
    tpu.vector_store_idx %arg6[%get3A_125], %get3A_127 masked %lt3A_130 : memref<8192xf32, #tpu.memory_space<vmem>>[vector<16xi32>], vector<16xf32>, vector<16xi1>
    %get3A_131 = arith.constant 288 : index
    %get3A_132 = tpu.vector_load %arg7[%get3A_131] {strides = array<i32>} : memref<2048xi32, #tpu.memory_space<vmem>>, vector<16xi32>,
    %get3A_133 = arith.constant 288 : index
    %get3A_134 = tpu.vector_load %arg8[%get3A_133] {strides = array<i32>} : memref<2048xf32, #tpu.memory_space<vmem>>, vector<16xf32>,
    %lt3A_135 = arith.constant 8192 : i32
    %lt3A_136 = vector.broadcast %lt3A_135 : i32 to vector<16xi32>
    %lt3A_137 = arith.cmpi slt, %get3A_132, %lt3A_136 : vector<16xi32>
    tpu.vector_store_idx %arg6[%get3A_132], %get3A_134 masked %lt3A_137 : memref<8192xf32, #tpu.memory_space<vmem>>[vector<16xi32>], vector<16xf32>, vector<16xi1>
    %get3A_138 = arith.constant 304 : index
    %get3A_139 = tpu.vector_load %arg7[%get3A_138] {strides = array<i32>} : memref<2048xi32, #tpu.memory_space<vmem>>, vector<16xi32>,
    %get3A_140 = arith.constant 304 : index
    %get3A_141 = tpu.vector_load %arg8[%get3A_140] {strides = array<i32>} : memref<2048xf32, #tpu.memory_space<vmem>>, vector<16xf32>,
    %lt3A_142 = arith.constant 8192 : i32
    %lt3A_143 = vector.broadcast %lt3A_142 : i32 to vector<16xi32>
    %lt3A_144 = arith.cmpi slt, %get3A_139, %lt3A_143 : vector<16xi32>
    tpu.vector_store_idx %arg6[%get3A_139], %get3A_141 masked %lt3A_144 : memref<8192xf32, #tpu.memory_space<vmem>>[vector<16xi32>], vector<16xf32>, vector<16xi1>
    %get3A_145 = arith.constant 320 : index
    %get3A_146 = tpu.vector_load %arg7[%get3A_145] {strides = array<i32>} : memref<2048xi32, #tpu.memory_space<vmem>>, vector<16xi32>,
    %get3A_147 = arith.constant 320 : index
    %get3A_148 = tpu.vector_load %arg8[%get3A_147] {strides = array<i32>} : memref<2048xf32, #tpu.memory_space<vmem>>, vector<16xf32>,
    %lt3A_149 = arith.constant 8192 : i32
    %lt3A_150 = vector.broadcast %lt3A_149 : i32 to vector<16xi32>
    %lt3A_151 = arith.cmpi slt, %get3A_146, %lt3A_150 : vector<16xi32>
    tpu.vector_store_idx %arg6[%get3A_146], %get3A_148 masked %lt3A_151 : memref<8192xf32, #tpu.memory_space<vmem>>[vector<16xi32>], vector<16xf32>, vector<16xi1>
    %get3A_152 = arith.constant 336 : index
    %get3A_153 = tpu.vector_load %arg7[%get3A_152] {strides = array<i32>} : memref<2048xi32, #tpu.memory_space<vmem>>, vector<16xi32>,
    %get3A_154 = arith.constant 336 : index
    %get3A_155 = tpu.vector_load %arg8[%get3A_154] {strides = array<i32>} : memref<2048xf32, #tpu.memory_space<vmem>>, vector<16xf32>,
    %lt3A_156 = arith.constant 8192 : i32
    %lt3A_157 = vector.broadcast %lt3A_156 : i32 to vector<16xi32>
    %lt3A_158 = arith.cmpi slt, %get3A_153, %lt3A_157 : vector<16xi32>
    tpu.vector_store_idx %arg6[%get3A_153], %get3A_155 masked %lt3A_158 : memref<8192xf32, #tpu.memory_space<vmem>>[vector<16xi32>], vector<16xf32>, vector<16xi1>
    %get3A_159 = arith.constant 352 : index
    %get3A_160 = tpu.vector_load %arg7[%get3A_159] {strides = array<i32>} : memref<2048xi32, #tpu.memory_space<vmem>>, vector<16xi32>,
    %get3A_161 = arith.constant 352 : index
    %get3A_162 = tpu.vector_load %arg8[%get3A_161] {strides = array<i32>} : memref<2048xf32, #tpu.memory_space<vmem>>, vector<16xf32>,
    %lt3A_163 = arith.constant 8192 : i32
    %lt3A_164 = vector.broadcast %lt3A_163 : i32 to vector<16xi32>
    %lt3A_165 = arith.cmpi slt, %get3A_160, %lt3A_164 : vector<16xi32>
    tpu.vector_store_idx %arg6[%get3A_160], %get3A_162 masked %lt3A_165 : memref<8192xf32, #tpu.memory_space<vmem>>[vector<16xi32>], vector<16xf32>, vector<16xi1>
    %get3A_166 = arith.constant 368 : index
    %get3A_167 = tpu.vector_load %arg7[%get3A_166] {strides = array<i32>} : memref<2048xi32, #tpu.memory_space<vmem>>, vector<16xi32>,
    %get3A_168 = arith.constant 368 : index
    %get3A_169 = tpu.vector_load %arg8[%get3A_168] {strides = array<i32>} : memref<2048xf32, #tpu.memory_space<vmem>>, vector<16xf32>,
    %lt3A_170 = arith.constant 8192 : i32
    %lt3A_171 = vector.broadcast %lt3A_170 : i32 to vector<16xi32>
    %lt3A_172 = arith.cmpi slt, %get3A_167, %lt3A_171 : vector<16xi32>
    tpu.vector_store_idx %arg6[%get3A_167], %get3A_169 masked %lt3A_172 : memref<8192xf32, #tpu.memory_space<vmem>>[vector<16xi32>], vector<16xf32>, vector<16xi1>
    %get3A_173 = arith.constant 384 : index
    %get3A_174 = tpu.vector_load %arg7[%get3A_173] {strides = array<i32>} : memref<2048xi32, #tpu.memory_space<vmem>>, vector<16xi32>,
    %get3A_175 = arith.constant 384 : index
    %get3A_176 = tpu.vector_load %arg8[%get3A_175] {strides = array<i32>} : memref<2048xf32, #tpu.memory_space<vmem>>, vector<16xf32>,
    %lt3A_177 = arith.constant 8192 : i32
    %lt3A_178 = vector.broadcast %lt3A_177 : i32 to vector<16xi32>
    %lt3A_179 = arith.cmpi slt, %get3A_174, %lt3A_178 : vector<16xi32>
    tpu.vector_store_idx %arg6[%get3A_174], %get3A_176 masked %lt3A_179 : memref<8192xf32, #tpu.memory_space<vmem>>[vector<16xi32>], vector<16xf32>, vector<16xi1>
    %get3A_180 = arith.constant 400 : index
    %get3A_181 = tpu.vector_load %arg7[%get3A_180] {strides = array<i32>} : memref<2048xi32, #tpu.memory_space<vmem>>, vector<16xi32>,
    %get3A_182 = arith.constant 400 : index
    %get3A_183 = tpu.vector_load %arg8[%get3A_182] {strides = array<i32>} : memref<2048xf32, #tpu.memory_space<vmem>>, vector<16xf32>,
    %lt3A_184 = arith.constant 8192 : i32
    %lt3A_185 = vector.broadcast %lt3A_184 : i32 to vector<16xi32>
    %lt3A_186 = arith.cmpi slt, %get3A_181, %lt3A_185 : vector<16xi32>
    tpu.vector_store_idx %arg6[%get3A_181], %get3A_183 masked %lt3A_186 : memref<8192xf32, #tpu.memory_space<vmem>>[vector<16xi32>], vector<16xf32>, vector<16xi1>
    %get3A_187 = arith.constant 416 : index
    %get3A_188 = tpu.vector_load %arg7[%get3A_187] {strides = array<i32>} : memref<2048xi32, #tpu.memory_space<vmem>>, vector<16xi32>,
    %get3A_189 = arith.constant 416 : index
    %get3A_190 = tpu.vector_load %arg8[%get3A_189] {strides = array<i32>} : memref<2048xf32, #tpu.memory_space<vmem>>, vector<16xf32>,
    %lt3A_191 = arith.constant 8192 : i32
    %lt3A_192 = vector.broadcast %lt3A_191 : i32 to vector<16xi32>
    %lt3A_193 = arith.cmpi slt, %get3A_188, %lt3A_192 : vector<16xi32>
    tpu.vector_store_idx %arg6[%get3A_188], %get3A_190 masked %lt3A_193 : memref<8192xf32, #tpu.memory_space<vmem>>[vector<16xi32>], vector<16xf32>, vector<16xi1>
    %get3A_194 = arith.constant 432 : index
    %get3A_195 = tpu.vector_load %arg7[%get3A_194] {strides = array<i32>} : memref<2048xi32, #tpu.memory_space<vmem>>, vector<16xi32>,
    %get3A_196 = arith.constant 432 : index
    %get3A_197 = tpu.vector_load %arg8[%get3A_196] {strides = array<i32>} : memref<2048xf32, #tpu.memory_space<vmem>>, vector<16xf32>,
    %lt3A_198 = arith.constant 8192 : i32
    %lt3A_199 = vector.broadcast %lt3A_198 : i32 to vector<16xi32>
    %lt3A_200 = arith.cmpi slt, %get3A_195, %lt3A_199 : vector<16xi32>
    tpu.vector_store_idx %arg6[%get3A_195], %get3A_197 masked %lt3A_200 : memref<8192xf32, #tpu.memory_space<vmem>>[vector<16xi32>], vector<16xf32>, vector<16xi1>
    %get3A_201 = arith.constant 448 : index
    %get3A_202 = tpu.vector_load %arg7[%get3A_201] {strides = array<i32>} : memref<2048xi32, #tpu.memory_space<vmem>>, vector<16xi32>,
    %get3A_203 = arith.constant 448 : index
    %get3A_204 = tpu.vector_load %arg8[%get3A_203] {strides = array<i32>} : memref<2048xf32, #tpu.memory_space<vmem>>, vector<16xf32>,
    %lt3A_205 = arith.constant 8192 : i32
    %lt3A_206 = vector.broadcast %lt3A_205 : i32 to vector<16xi32>
    %lt3A_207 = arith.cmpi slt, %get3A_202, %lt3A_206 : vector<16xi32>
    tpu.vector_store_idx %arg6[%get3A_202], %get3A_204 masked %lt3A_207 : memref<8192xf32, #tpu.memory_space<vmem>>[vector<16xi32>], vector<16xf32>, vector<16xi1>
    %get3A_208 = arith.constant 464 : index
    %get3A_209 = tpu.vector_load %arg7[%get3A_208] {strides = array<i32>} : memref<2048xi32, #tpu.memory_space<vmem>>, vector<16xi32>,
    %get3A_210 = arith.constant 464 : index
    %get3A_211 = tpu.vector_load %arg8[%get3A_210] {strides = array<i32>} : memref<2048xf32, #tpu.memory_space<vmem>>, vector<16xf32>,
    %lt3A_212 = arith.constant 8192 : i32
    %lt3A_213 = vector.broadcast %lt3A_212 : i32 to vector<16xi32>
    %lt3A_214 = arith.cmpi slt, %get3A_209, %lt3A_213 : vector<16xi32>
    tpu.vector_store_idx %arg6[%get3A_209], %get3A_211 masked %lt3A_214 : memref<8192xf32, #tpu.memory_space<vmem>>[vector<16xi32>], vector<16xf32>, vector<16xi1>
    %get3A_215 = arith.constant 480 : index
    %get3A_216 = tpu.vector_load %arg7[%get3A_215] {strides = array<i32>} : memref<2048xi32, #tpu.memory_space<vmem>>, vector<16xi32>,
    %get3A_217 = arith.constant 480 : index
    %get3A_218 = tpu.vector_load %arg8[%get3A_217] {strides = array<i32>} : memref<2048xf32, #tpu.memory_space<vmem>>, vector<16xf32>,
    %lt3A_219 = arith.constant 8192 : i32
    %lt3A_220 = vector.broadcast %lt3A_219 : i32 to vector<16xi32>
    %lt3A_221 = arith.cmpi slt, %get3A_216, %lt3A_220 : vector<16xi32>
    tpu.vector_store_idx %arg6[%get3A_216], %get3A_218 masked %lt3A_221 : memref<8192xf32, #tpu.memory_space<vmem>>[vector<16xi32>], vector<16xf32>, vector<16xi1>
    %get3A_222 = arith.constant 496 : index
    %get3A_223 = tpu.vector_load %arg7[%get3A_222] {strides = array<i32>} : memref<2048xi32, #tpu.memory_space<vmem>>, vector<16xi32>,
    %get3A_224 = arith.constant 496 : index
    %get3A_225 = tpu.vector_load %arg8[%get3A_224] {strides = array<i32>} : memref<2048xf32, #tpu.memory_space<vmem>>, vector<16xf32>,
    %lt3A_226 = arith.constant 8192 : i32
    %lt3A_227 = vector.broadcast %lt3A_226 : i32 to vector<16xi32>
    %lt3A_228 = arith.cmpi slt, %get3A_223, %lt3A_227 : vector<16xi32>
    tpu.vector_store_idx %arg6[%get3A_223], %get3A_225 masked %lt3A_228 : memref<8192xf32, #tpu.memory_space<vmem>>[vector<16xi32>], vector<16xf32>, vector<16xi1>
    %get3A_229 = arith.constant 512 : index
    %get3A_230 = tpu.vector_load %arg7[%get3A_229] {strides = array<i32>} : memref<2048xi32, #tpu.memory_space<vmem>>, vector<16xi32>,
    %get3A_231 = arith.constant 512 : index
    %get3A_232 = tpu.vector_load %arg8[%get3A_231] {strides = array<i32>} : memref<2048xf32, #tpu.memory_space<vmem>>, vector<16xf32>,
    %lt3A_233 = arith.constant 8192 : i32
    %lt3A_234 = vector.broadcast %lt3A_233 : i32 to vector<16xi32>
    %lt3A_235 = arith.cmpi slt, %get3A_230, %lt3A_234 : vector<16xi32>
    tpu.vector_store_idx %arg6[%get3A_230], %get3A_232 masked %lt3A_235 : memref<8192xf32, #tpu.memory_space<vmem>>[vector<16xi32>], vector<16xf32>, vector<16xi1>
    %get3A_236 = arith.constant 528 : index
    %get3A_237 = tpu.vector_load %arg7[%get3A_236] {strides = array<i32>} : memref<2048xi32, #tpu.memory_space<vmem>>, vector<16xi32>,
    %get3A_238 = arith.constant 528 : index
    %get3A_239 = tpu.vector_load %arg8[%get3A_238] {strides = array<i32>} : memref<2048xf32, #tpu.memory_space<vmem>>, vector<16xf32>,
    %lt3A_240 = arith.constant 8192 : i32
    %lt3A_241 = vector.broadcast %lt3A_240 : i32 to vector<16xi32>
    %lt3A_242 = arith.cmpi slt, %get3A_237, %lt3A_241 : vector<16xi32>
    tpu.vector_store_idx %arg6[%get3A_237], %get3A_239 masked %lt3A_242 : memref<8192xf32, #tpu.memory_space<vmem>>[vector<16xi32>], vector<16xf32>, vector<16xi1>
    %get3A_243 = arith.constant 544 : index
    %get3A_244 = tpu.vector_load %arg7[%get3A_243] {strides = array<i32>} : memref<2048xi32, #tpu.memory_space<vmem>>, vector<16xi32>,
    %get3A_245 = arith.constant 544 : index
    %get3A_246 = tpu.vector_load %arg8[%get3A_245] {strides = array<i32>} : memref<2048xf32, #tpu.memory_space<vmem>>, vector<16xf32>,
    %lt3A_247 = arith.constant 8192 : i32
    %lt3A_248 = vector.broadcast %lt3A_247 : i32 to vector<16xi32>
    %lt3A_249 = arith.cmpi slt, %get3A_244, %lt3A_248 : vector<16xi32>
    tpu.vector_store_idx %arg6[%get3A_244], %get3A_246 masked %lt3A_249 : memref<8192xf32, #tpu.memory_space<vmem>>[vector<16xi32>], vector<16xf32>, vector<16xi1>
    %get3A_250 = arith.constant 560 : index
    %get3A_251 = tpu.vector_load %arg7[%get3A_250] {strides = array<i32>} : memref<2048xi32, #tpu.memory_space<vmem>>, vector<16xi32>,
    %get3A_252 = arith.constant 560 : index
    %get3A_253 = tpu.vector_load %arg8[%get3A_252] {strides = array<i32>} : memref<2048xf32, #tpu.memory_space<vmem>>, vector<16xf32>,
    %lt3A_254 = arith.constant 8192 : i32
    %lt3A_255 = vector.broadcast %lt3A_254 : i32 to vector<16xi32>
    %lt3A_256 = arith.cmpi slt, %get3A_251, %lt3A_255 : vector<16xi32>
    tpu.vector_store_idx %arg6[%get3A_251], %get3A_253 masked %lt3A_256 : memref<8192xf32, #tpu.memory_space<vmem>>[vector<16xi32>], vector<16xf32>, vector<16xi1>
    %get3A_257 = arith.constant 576 : index
    %get3A_258 = tpu.vector_load %arg7[%get3A_257] {strides = array<i32>} : memref<2048xi32, #tpu.memory_space<vmem>>, vector<16xi32>,
    %get3A_259 = arith.constant 576 : index
    %get3A_260 = tpu.vector_load %arg8[%get3A_259] {strides = array<i32>} : memref<2048xf32, #tpu.memory_space<vmem>>, vector<16xf32>,
    %lt3A_261 = arith.constant 8192 : i32
    %lt3A_262 = vector.broadcast %lt3A_261 : i32 to vector<16xi32>
    %lt3A_263 = arith.cmpi slt, %get3A_258, %lt3A_262 : vector<16xi32>
    tpu.vector_store_idx %arg6[%get3A_258], %get3A_260 masked %lt3A_263 : memref<8192xf32, #tpu.memory_space<vmem>>[vector<16xi32>], vector<16xf32>, vector<16xi1>
    %get3A_264 = arith.constant 592 : index
    %get3A_265 = tpu.vector_load %arg7[%get3A_264] {strides = array<i32>} : memref<2048xi32, #tpu.memory_space<vmem>>, vector<16xi32>,
    %get3A_266 = arith.constant 592 : index
    %get3A_267 = tpu.vector_load %arg8[%get3A_266] {strides = array<i32>} : memref<2048xf32, #tpu.memory_space<vmem>>, vector<16xf32>,
    %lt3A_268 = arith.constant 8192 : i32
    %lt3A_269 = vector.broadcast %lt3A_268 : i32 to vector<16xi32>
    %lt3A_270 = arith.cmpi slt, %get3A_265, %lt3A_269 : vector<16xi32>
    tpu.vector_store_idx %arg6[%get3A_265], %get3A_267 masked %lt3A_270 : memref<8192xf32, #tpu.memory_space<vmem>>[vector<16xi32>], vector<16xf32>, vector<16xi1>
    %get3A_271 = arith.constant 608 : index
    %get3A_272 = tpu.vector_load %arg7[%get3A_271] {strides = array<i32>} : memref<2048xi32, #tpu.memory_space<vmem>>, vector<16xi32>,
    %get3A_273 = arith.constant 608 : index
    %get3A_274 = tpu.vector_load %arg8[%get3A_273] {strides = array<i32>} : memref<2048xf32, #tpu.memory_space<vmem>>, vector<16xf32>,
    %lt3A_275 = arith.constant 8192 : i32
    %lt3A_276 = vector.broadcast %lt3A_275 : i32 to vector<16xi32>
    %lt3A_277 = arith.cmpi slt, %get3A_272, %lt3A_276 : vector<16xi32>
    tpu.vector_store_idx %arg6[%get3A_272], %get3A_274 masked %lt3A_277 : memref<8192xf32, #tpu.memory_space<vmem>>[vector<16xi32>], vector<16xf32>, vector<16xi1>
    %get3A_278 = arith.constant 624 : index
    %get3A_279 = tpu.vector_load %arg7[%get3A_278] {strides = array<i32>} : memref<2048xi32, #tpu.memory_space<vmem>>, vector<16xi32>,
    %get3A_280 = arith.constant 624 : index
    %get3A_281 = tpu.vector_load %arg8[%get3A_280] {strides = array<i32>} : memref<2048xf32, #tpu.memory_space<vmem>>, vector<16xf32>,
    %lt3A_282 = arith.constant 8192 : i32
    %lt3A_283 = vector.broadcast %lt3A_282 : i32 to vector<16xi32>
    %lt3A_284 = arith.cmpi slt, %get3A_279, %lt3A_283 : vector<16xi32>
    tpu.vector_store_idx %arg6[%get3A_279], %get3A_281 masked %lt3A_284 : memref<8192xf32, #tpu.memory_space<vmem>>[vector<16xi32>], vector<16xf32>, vector<16xi1>
    %get3A_285 = arith.constant 640 : index
    %get3A_286 = tpu.vector_load %arg7[%get3A_285] {strides = array<i32>} : memref<2048xi32, #tpu.memory_space<vmem>>, vector<16xi32>,
    %get3A_287 = arith.constant 640 : index
    %get3A_288 = tpu.vector_load %arg8[%get3A_287] {strides = array<i32>} : memref<2048xf32, #tpu.memory_space<vmem>>, vector<16xf32>,
    %lt3A_289 = arith.constant 8192 : i32
    %lt3A_290 = vector.broadcast %lt3A_289 : i32 to vector<16xi32>
    %lt3A_291 = arith.cmpi slt, %get3A_286, %lt3A_290 : vector<16xi32>
    tpu.vector_store_idx %arg6[%get3A_286], %get3A_288 masked %lt3A_291 : memref<8192xf32, #tpu.memory_space<vmem>>[vector<16xi32>], vector<16xf32>, vector<16xi1>
    %get3A_292 = arith.constant 656 : index
    %get3A_293 = tpu.vector_load %arg7[%get3A_292] {strides = array<i32>} : memref<2048xi32, #tpu.memory_space<vmem>>, vector<16xi32>,
    %get3A_294 = arith.constant 656 : index
    %get3A_295 = tpu.vector_load %arg8[%get3A_294] {strides = array<i32>} : memref<2048xf32, #tpu.memory_space<vmem>>, vector<16xf32>,
    %lt3A_296 = arith.constant 8192 : i32
    %lt3A_297 = vector.broadcast %lt3A_296 : i32 to vector<16xi32>
    %lt3A_298 = arith.cmpi slt, %get3A_293, %lt3A_297 : vector<16xi32>
    tpu.vector_store_idx %arg6[%get3A_293], %get3A_295 masked %lt3A_298 : memref<8192xf32, #tpu.memory_space<vmem>>[vector<16xi32>], vector<16xf32>, vector<16xi1>
    %get3A_299 = arith.constant 672 : index
    %get3A_300 = tpu.vector_load %arg7[%get3A_299] {strides = array<i32>} : memref<2048xi32, #tpu.memory_space<vmem>>, vector<16xi32>,
    %get3A_301 = arith.constant 672 : index
    %get3A_302 = tpu.vector_load %arg8[%get3A_301] {strides = array<i32>} : memref<2048xf32, #tpu.memory_space<vmem>>, vector<16xf32>,
    %lt3A_303 = arith.constant 8192 : i32
    %lt3A_304 = vector.broadcast %lt3A_303 : i32 to vector<16xi32>
    %lt3A_305 = arith.cmpi slt, %get3A_300, %lt3A_304 : vector<16xi32>
    tpu.vector_store_idx %arg6[%get3A_300], %get3A_302 masked %lt3A_305 : memref<8192xf32, #tpu.memory_space<vmem>>[vector<16xi32>], vector<16xf32>, vector<16xi1>
    %get3A_306 = arith.constant 688 : index
    %get3A_307 = tpu.vector_load %arg7[%get3A_306] {strides = array<i32>} : memref<2048xi32, #tpu.memory_space<vmem>>, vector<16xi32>,
    %get3A_308 = arith.constant 688 : index
    %get3A_309 = tpu.vector_load %arg8[%get3A_308] {strides = array<i32>} : memref<2048xf32, #tpu.memory_space<vmem>>, vector<16xf32>,
    %lt3A_310 = arith.constant 8192 : i32
    %lt3A_311 = vector.broadcast %lt3A_310 : i32 to vector<16xi32>
    %lt3A_312 = arith.cmpi slt, %get3A_307, %lt3A_311 : vector<16xi32>
    tpu.vector_store_idx %arg6[%get3A_307], %get3A_309 masked %lt3A_312 : memref<8192xf32, #tpu.memory_space<vmem>>[vector<16xi32>], vector<16xf32>, vector<16xi1>
    %get3A_313 = arith.constant 704 : index
    %get3A_314 = tpu.vector_load %arg7[%get3A_313] {strides = array<i32>} : memref<2048xi32, #tpu.memory_space<vmem>>, vector<16xi32>,
    %get3A_315 = arith.constant 704 : index
    %get3A_316 = tpu.vector_load %arg8[%get3A_315] {strides = array<i32>} : memref<2048xf32, #tpu.memory_space<vmem>>, vector<16xf32>,
    %lt3A_317 = arith.constant 8192 : i32
    %lt3A_318 = vector.broadcast %lt3A_317 : i32 to vector<16xi32>
    %lt3A_319 = arith.cmpi slt, %get3A_314, %lt3A_318 : vector<16xi32>
    tpu.vector_store_idx %arg6[%get3A_314], %get3A_316 masked %lt3A_319 : memref<8192xf32, #tpu.memory_space<vmem>>[vector<16xi32>], vector<16xf32>, vector<16xi1>
    %get3A_320 = arith.constant 720 : index
    %get3A_321 = tpu.vector_load %arg7[%get3A_320] {strides = array<i32>} : memref<2048xi32, #tpu.memory_space<vmem>>, vector<16xi32>,
    %get3A_322 = arith.constant 720 : index
    %get3A_323 = tpu.vector_load %arg8[%get3A_322] {strides = array<i32>} : memref<2048xf32, #tpu.memory_space<vmem>>, vector<16xf32>,
    %lt3A_324 = arith.constant 8192 : i32
    %lt3A_325 = vector.broadcast %lt3A_324 : i32 to vector<16xi32>
    %lt3A_326 = arith.cmpi slt, %get3A_321, %lt3A_325 : vector<16xi32>
    tpu.vector_store_idx %arg6[%get3A_321], %get3A_323 masked %lt3A_326 : memref<8192xf32, #tpu.memory_space<vmem>>[vector<16xi32>], vector<16xf32>, vector<16xi1>
    %get3A_327 = arith.constant 736 : index
    %get3A_328 = tpu.vector_load %arg7[%get3A_327] {strides = array<i32>} : memref<2048xi32, #tpu.memory_space<vmem>>, vector<16xi32>,
    %get3A_329 = arith.constant 736 : index
    %get3A_330 = tpu.vector_load %arg8[%get3A_329] {strides = array<i32>} : memref<2048xf32, #tpu.memory_space<vmem>>, vector<16xf32>,
    %lt3A_331 = arith.constant 8192 : i32
    %lt3A_332 = vector.broadcast %lt3A_331 : i32 to vector<16xi32>
    %lt3A_333 = arith.cmpi slt, %get3A_328, %lt3A_332 : vector<16xi32>
    tpu.vector_store_idx %arg6[%get3A_328], %get3A_330 masked %lt3A_333 : memref<8192xf32, #tpu.memory_space<vmem>>[vector<16xi32>], vector<16xf32>, vector<16xi1>
    %get3A_334 = arith.constant 752 : index
    %get3A_335 = tpu.vector_load %arg7[%get3A_334] {strides = array<i32>} : memref<2048xi32, #tpu.memory_space<vmem>>, vector<16xi32>,
    %get3A_336 = arith.constant 752 : index
    %get3A_337 = tpu.vector_load %arg8[%get3A_336] {strides = array<i32>} : memref<2048xf32, #tpu.memory_space<vmem>>, vector<16xf32>,
    %lt3A_338 = arith.constant 8192 : i32
    %lt3A_339 = vector.broadcast %lt3A_338 : i32 to vector<16xi32>
    %lt3A_340 = arith.cmpi slt, %get3A_335, %lt3A_339 : vector<16xi32>
    tpu.vector_store_idx %arg6[%get3A_335], %get3A_337 masked %lt3A_340 : memref<8192xf32, #tpu.memory_space<vmem>>[vector<16xi32>], vector<16xf32>, vector<16xi1>
    %get3A_341 = arith.constant 768 : index
    %get3A_342 = tpu.vector_load %arg7[%get3A_341] {strides = array<i32>} : memref<2048xi32, #tpu.memory_space<vmem>>, vector<16xi32>,
    %get3A_343 = arith.constant 768 : index
    %get3A_344 = tpu.vector_load %arg8[%get3A_343] {strides = array<i32>} : memref<2048xf32, #tpu.memory_space<vmem>>, vector<16xf32>,
    %lt3A_345 = arith.constant 8192 : i32
    %lt3A_346 = vector.broadcast %lt3A_345 : i32 to vector<16xi32>
    %lt3A_347 = arith.cmpi slt, %get3A_342, %lt3A_346 : vector<16xi32>
    tpu.vector_store_idx %arg6[%get3A_342], %get3A_344 masked %lt3A_347 : memref<8192xf32, #tpu.memory_space<vmem>>[vector<16xi32>], vector<16xf32>, vector<16xi1>
    %get3A_348 = arith.constant 784 : index
    %get3A_349 = tpu.vector_load %arg7[%get3A_348] {strides = array<i32>} : memref<2048xi32, #tpu.memory_space<vmem>>, vector<16xi32>,
    %get3A_350 = arith.constant 784 : index
    %get3A_351 = tpu.vector_load %arg8[%get3A_350] {strides = array<i32>} : memref<2048xf32, #tpu.memory_space<vmem>>, vector<16xf32>,
    %lt3A_352 = arith.constant 8192 : i32
    %lt3A_353 = vector.broadcast %lt3A_352 : i32 to vector<16xi32>
    %lt3A_354 = arith.cmpi slt, %get3A_349, %lt3A_353 : vector<16xi32>
    tpu.vector_store_idx %arg6[%get3A_349], %get3A_351 masked %lt3A_354 : memref<8192xf32, #tpu.memory_space<vmem>>[vector<16xi32>], vector<16xf32>, vector<16xi1>
    %get3A_355 = arith.constant 800 : index
    %get3A_356 = tpu.vector_load %arg7[%get3A_355] {strides = array<i32>} : memref<2048xi32, #tpu.memory_space<vmem>>, vector<16xi32>,
    %get3A_357 = arith.constant 800 : index
    %get3A_358 = tpu.vector_load %arg8[%get3A_357] {strides = array<i32>} : memref<2048xf32, #tpu.memory_space<vmem>>, vector<16xf32>,
    %lt3A_359 = arith.constant 8192 : i32
    %lt3A_360 = vector.broadcast %lt3A_359 : i32 to vector<16xi32>
    %lt3A_361 = arith.cmpi slt, %get3A_356, %lt3A_360 : vector<16xi32>
    tpu.vector_store_idx %arg6[%get3A_356], %get3A_358 masked %lt3A_361 : memref<8192xf32, #tpu.memory_space<vmem>>[vector<16xi32>], vector<16xf32>, vector<16xi1>
    %get3A_362 = arith.constant 816 : index
    %get3A_363 = tpu.vector_load %arg7[%get3A_362] {strides = array<i32>} : memref<2048xi32, #tpu.memory_space<vmem>>, vector<16xi32>,
    %get3A_364 = arith.constant 816 : index
    %get3A_365 = tpu.vector_load %arg8[%get3A_364] {strides = array<i32>} : memref<2048xf32, #tpu.memory_space<vmem>>, vector<16xf32>,
    %lt3A_366 = arith.constant 8192 : i32
    %lt3A_367 = vector.broadcast %lt3A_366 : i32 to vector<16xi32>
    %lt3A_368 = arith.cmpi slt, %get3A_363, %lt3A_367 : vector<16xi32>
    tpu.vector_store_idx %arg6[%get3A_363], %get3A_365 masked %lt3A_368 : memref<8192xf32, #tpu.memory_space<vmem>>[vector<16xi32>], vector<16xf32>, vector<16xi1>
    %get3A_369 = arith.constant 832 : index
    %get3A_370 = tpu.vector_load %arg7[%get3A_369] {strides = array<i32>} : memref<2048xi32, #tpu.memory_space<vmem>>, vector<16xi32>,
    %get3A_371 = arith.constant 832 : index
    %get3A_372 = tpu.vector_load %arg8[%get3A_371] {strides = array<i32>} : memref<2048xf32, #tpu.memory_space<vmem>>, vector<16xf32>,
    %lt3A_373 = arith.constant 8192 : i32
    %lt3A_374 = vector.broadcast %lt3A_373 : i32 to vector<16xi32>
    %lt3A_375 = arith.cmpi slt, %get3A_370, %lt3A_374 : vector<16xi32>
    tpu.vector_store_idx %arg6[%get3A_370], %get3A_372 masked %lt3A_375 : memref<8192xf32, #tpu.memory_space<vmem>>[vector<16xi32>], vector<16xf32>, vector<16xi1>
    %get3A_376 = arith.constant 848 : index
    %get3A_377 = tpu.vector_load %arg7[%get3A_376] {strides = array<i32>} : memref<2048xi32, #tpu.memory_space<vmem>>, vector<16xi32>,
    %get3A_378 = arith.constant 848 : index
    %get3A_379 = tpu.vector_load %arg8[%get3A_378] {strides = array<i32>} : memref<2048xf32, #tpu.memory_space<vmem>>, vector<16xf32>,
    %lt3A_380 = arith.constant 8192 : i32
    %lt3A_381 = vector.broadcast %lt3A_380 : i32 to vector<16xi32>
    %lt3A_382 = arith.cmpi slt, %get3A_377, %lt3A_381 : vector<16xi32>
    tpu.vector_store_idx %arg6[%get3A_377], %get3A_379 masked %lt3A_382 : memref<8192xf32, #tpu.memory_space<vmem>>[vector<16xi32>], vector<16xf32>, vector<16xi1>
    %get3A_383 = arith.constant 864 : index
    %get3A_384 = tpu.vector_load %arg7[%get3A_383] {strides = array<i32>} : memref<2048xi32, #tpu.memory_space<vmem>>, vector<16xi32>,
    %get3A_385 = arith.constant 864 : index
    %get3A_386 = tpu.vector_load %arg8[%get3A_385] {strides = array<i32>} : memref<2048xf32, #tpu.memory_space<vmem>>, vector<16xf32>,
    %lt3A_387 = arith.constant 8192 : i32
    %lt3A_388 = vector.broadcast %lt3A_387 : i32 to vector<16xi32>
    %lt3A_389 = arith.cmpi slt, %get3A_384, %lt3A_388 : vector<16xi32>
    tpu.vector_store_idx %arg6[%get3A_384], %get3A_386 masked %lt3A_389 : memref<8192xf32, #tpu.memory_space<vmem>>[vector<16xi32>], vector<16xf32>, vector<16xi1>
    %get3A_390 = arith.constant 880 : index
    %get3A_391 = tpu.vector_load %arg7[%get3A_390] {strides = array<i32>} : memref<2048xi32, #tpu.memory_space<vmem>>, vector<16xi32>,
    %get3A_392 = arith.constant 880 : index
    %get3A_393 = tpu.vector_load %arg8[%get3A_392] {strides = array<i32>} : memref<2048xf32, #tpu.memory_space<vmem>>, vector<16xf32>,
    %lt3A_394 = arith.constant 8192 : i32
    %lt3A_395 = vector.broadcast %lt3A_394 : i32 to vector<16xi32>
    %lt3A_396 = arith.cmpi slt, %get3A_391, %lt3A_395 : vector<16xi32>
    tpu.vector_store_idx %arg6[%get3A_391], %get3A_393 masked %lt3A_396 : memref<8192xf32, #tpu.memory_space<vmem>>[vector<16xi32>], vector<16xf32>, vector<16xi1>
    %get3A_397 = arith.constant 896 : index
    %get3A_398 = tpu.vector_load %arg7[%get3A_397] {strides = array<i32>} : memref<2048xi32, #tpu.memory_space<vmem>>, vector<16xi32>,
    %get3A_399 = arith.constant 896 : index
    %get3A_400 = tpu.vector_load %arg8[%get3A_399] {strides = array<i32>} : memref<2048xf32, #tpu.memory_space<vmem>>, vector<16xf32>,
    %lt3A_401 = arith.constant 8192 : i32
    %lt3A_402 = vector.broadcast %lt3A_401 : i32 to vector<16xi32>
    %lt3A_403 = arith.cmpi slt, %get3A_398, %lt3A_402 : vector<16xi32>
    tpu.vector_store_idx %arg6[%get3A_398], %get3A_400 masked %lt3A_403 : memref<8192xf32, #tpu.memory_space<vmem>>[vector<16xi32>], vector<16xf32>, vector<16xi1>
    %get3A_404 = arith.constant 912 : index
    %get3A_405 = tpu.vector_load %arg7[%get3A_404] {strides = array<i32>} : memref<2048xi32, #tpu.memory_space<vmem>>, vector<16xi32>,
    %get3A_406 = arith.constant 912 : index
    %get3A_407 = tpu.vector_load %arg8[%get3A_406] {strides = array<i32>} : memref<2048xf32, #tpu.memory_space<vmem>>, vector<16xf32>,
    %lt3A_408 = arith.constant 8192 : i32
    %lt3A_409 = vector.broadcast %lt3A_408 : i32 to vector<16xi32>
    %lt3A_410 = arith.cmpi slt, %get3A_405, %lt3A_409 : vector<16xi32>
    tpu.vector_store_idx %arg6[%get3A_405], %get3A_407 masked %lt3A_410 : memref<8192xf32, #tpu.memory_space<vmem>>[vector<16xi32>], vector<16xf32>, vector<16xi1>
    %get3A_411 = arith.constant 928 : index
    %get3A_412 = tpu.vector_load %arg7[%get3A_411] {strides = array<i32>} : memref<2048xi32, #tpu.memory_space<vmem>>, vector<16xi32>,
    %get3A_413 = arith.constant 928 : index
    %get3A_414 = tpu.vector_load %arg8[%get3A_413] {strides = array<i32>} : memref<2048xf32, #tpu.memory_space<vmem>>, vector<16xf32>,
    %lt3A_415 = arith.constant 8192 : i32
    %lt3A_416 = vector.broadcast %lt3A_415 : i32 to vector<16xi32>
    %lt3A_417 = arith.cmpi slt, %get3A_412, %lt3A_416 : vector<16xi32>
    tpu.vector_store_idx %arg6[%get3A_412], %get3A_414 masked %lt3A_417 : memref<8192xf32, #tpu.memory_space<vmem>>[vector<16xi32>], vector<16xf32>, vector<16xi1>
    %get3A_418 = arith.constant 944 : index
    %get3A_419 = tpu.vector_load %arg7[%get3A_418] {strides = array<i32>} : memref<2048xi32, #tpu.memory_space<vmem>>, vector<16xi32>,
    %get3A_420 = arith.constant 944 : index
    %get3A_421 = tpu.vector_load %arg8[%get3A_420] {strides = array<i32>} : memref<2048xf32, #tpu.memory_space<vmem>>, vector<16xf32>,
    %lt3A_422 = arith.constant 8192 : i32
    %lt3A_423 = vector.broadcast %lt3A_422 : i32 to vector<16xi32>
    %lt3A_424 = arith.cmpi slt, %get3A_419, %lt3A_423 : vector<16xi32>
    tpu.vector_store_idx %arg6[%get3A_419], %get3A_421 masked %lt3A_424 : memref<8192xf32, #tpu.memory_space<vmem>>[vector<16xi32>], vector<16xf32>, vector<16xi1>
    %get3A_425 = arith.constant 960 : index
    %get3A_426 = tpu.vector_load %arg7[%get3A_425] {strides = array<i32>} : memref<2048xi32, #tpu.memory_space<vmem>>, vector<16xi32>,
    %get3A_427 = arith.constant 960 : index
    %get3A_428 = tpu.vector_load %arg8[%get3A_427] {strides = array<i32>} : memref<2048xf32, #tpu.memory_space<vmem>>, vector<16xf32>,
    %lt3A_429 = arith.constant 8192 : i32
    %lt3A_430 = vector.broadcast %lt3A_429 : i32 to vector<16xi32>
    %lt3A_431 = arith.cmpi slt, %get3A_426, %lt3A_430 : vector<16xi32>
    tpu.vector_store_idx %arg6[%get3A_426], %get3A_428 masked %lt3A_431 : memref<8192xf32, #tpu.memory_space<vmem>>[vector<16xi32>], vector<16xf32>, vector<16xi1>
    %get3A_432 = arith.constant 976 : index
    %get3A_433 = tpu.vector_load %arg7[%get3A_432] {strides = array<i32>} : memref<2048xi32, #tpu.memory_space<vmem>>, vector<16xi32>,
    %get3A_434 = arith.constant 976 : index
    %get3A_435 = tpu.vector_load %arg8[%get3A_434] {strides = array<i32>} : memref<2048xf32, #tpu.memory_space<vmem>>, vector<16xf32>,
    %lt3A_436 = arith.constant 8192 : i32
    %lt3A_437 = vector.broadcast %lt3A_436 : i32 to vector<16xi32>
    %lt3A_438 = arith.cmpi slt, %get3A_433, %lt3A_437 : vector<16xi32>
    tpu.vector_store_idx %arg6[%get3A_433], %get3A_435 masked %lt3A_438 : memref<8192xf32, #tpu.memory_space<vmem>>[vector<16xi32>], vector<16xf32>, vector<16xi1>
    %get3A_439 = arith.constant 992 : index
    %get3A_440 = tpu.vector_load %arg7[%get3A_439] {strides = array<i32>} : memref<2048xi32, #tpu.memory_space<vmem>>, vector<16xi32>,
    %get3A_441 = arith.constant 992 : index
    %get3A_442 = tpu.vector_load %arg8[%get3A_441] {strides = array<i32>} : memref<2048xf32, #tpu.memory_space<vmem>>, vector<16xf32>,
    %lt3A_443 = arith.constant 8192 : i32
    %lt3A_444 = vector.broadcast %lt3A_443 : i32 to vector<16xi32>
    %lt3A_445 = arith.cmpi slt, %get3A_440, %lt3A_444 : vector<16xi32>
    tpu.vector_store_idx %arg6[%get3A_440], %get3A_442 masked %lt3A_445 : memref<8192xf32, #tpu.memory_space<vmem>>[vector<16xi32>], vector<16xf32>, vector<16xi1>
    %get3A_446 = arith.constant 1008 : index
    %get3A_447 = tpu.vector_load %arg7[%get3A_446] {strides = array<i32>} : memref<2048xi32, #tpu.memory_space<vmem>>, vector<16xi32>,
    %get3A_448 = arith.constant 1008 : index
    %get3A_449 = tpu.vector_load %arg8[%get3A_448] {strides = array<i32>} : memref<2048xf32, #tpu.memory_space<vmem>>, vector<16xf32>,
    %lt3A_450 = arith.constant 8192 : i32
    %lt3A_451 = vector.broadcast %lt3A_450 : i32 to vector<16xi32>
    %lt3A_452 = arith.cmpi slt, %get3A_447, %lt3A_451 : vector<16xi32>
    tpu.vector_store_idx %arg6[%get3A_447], %get3A_449 masked %lt3A_452 : memref<8192xf32, #tpu.memory_space<vmem>>[vector<16xi32>], vector<16xf32>, vector<16xi1>
    %get3A_453 = arith.constant 1024 : index
    %get3A_454 = tpu.vector_load %arg7[%get3A_453] {strides = array<i32>} : memref<2048xi32, #tpu.memory_space<vmem>>, vector<16xi32>,
    %get3A_455 = arith.constant 1024 : index
    %get3A_456 = tpu.vector_load %arg8[%get3A_455] {strides = array<i32>} : memref<2048xf32, #tpu.memory_space<vmem>>, vector<16xf32>,
    %lt3A_457 = arith.constant 8192 : i32
    %lt3A_458 = vector.broadcast %lt3A_457 : i32 to vector<16xi32>
    %lt3A_459 = arith.cmpi slt, %get3A_454, %lt3A_458 : vector<16xi32>
    tpu.vector_store_idx %arg6[%get3A_454], %get3A_456 masked %lt3A_459 : memref<8192xf32, #tpu.memory_space<vmem>>[vector<16xi32>], vector<16xf32>, vector<16xi1>
    %get3A_460 = arith.constant 1040 : index
    %get3A_461 = tpu.vector_load %arg7[%get3A_460] {strides = array<i32>} : memref<2048xi32, #tpu.memory_space<vmem>>, vector<16xi32>,
    %get3A_462 = arith.constant 1040 : index
    %get3A_463 = tpu.vector_load %arg8[%get3A_462] {strides = array<i32>} : memref<2048xf32, #tpu.memory_space<vmem>>, vector<16xf32>,
    %lt3A_464 = arith.constant 8192 : i32
    %lt3A_465 = vector.broadcast %lt3A_464 : i32 to vector<16xi32>
    %lt3A_466 = arith.cmpi slt, %get3A_461, %lt3A_465 : vector<16xi32>
    tpu.vector_store_idx %arg6[%get3A_461], %get3A_463 masked %lt3A_466 : memref<8192xf32, #tpu.memory_space<vmem>>[vector<16xi32>], vector<16xf32>, vector<16xi1>
    %get3A_467 = arith.constant 1056 : index
    %get3A_468 = tpu.vector_load %arg7[%get3A_467] {strides = array<i32>} : memref<2048xi32, #tpu.memory_space<vmem>>, vector<16xi32>,
    %get3A_469 = arith.constant 1056 : index
    %get3A_470 = tpu.vector_load %arg8[%get3A_469] {strides = array<i32>} : memref<2048xf32, #tpu.memory_space<vmem>>, vector<16xf32>,
    %lt3A_471 = arith.constant 8192 : i32
    %lt3A_472 = vector.broadcast %lt3A_471 : i32 to vector<16xi32>
    %lt3A_473 = arith.cmpi slt, %get3A_468, %lt3A_472 : vector<16xi32>
    tpu.vector_store_idx %arg6[%get3A_468], %get3A_470 masked %lt3A_473 : memref<8192xf32, #tpu.memory_space<vmem>>[vector<16xi32>], vector<16xf32>, vector<16xi1>
    %get3A_474 = arith.constant 1072 : index
    %get3A_475 = tpu.vector_load %arg7[%get3A_474] {strides = array<i32>} : memref<2048xi32, #tpu.memory_space<vmem>>, vector<16xi32>,
    %get3A_476 = arith.constant 1072 : index
    %get3A_477 = tpu.vector_load %arg8[%get3A_476] {strides = array<i32>} : memref<2048xf32, #tpu.memory_space<vmem>>, vector<16xf32>,
    %lt3A_478 = arith.constant 8192 : i32
    %lt3A_479 = vector.broadcast %lt3A_478 : i32 to vector<16xi32>
    %lt3A_480 = arith.cmpi slt, %get3A_475, %lt3A_479 : vector<16xi32>
    tpu.vector_store_idx %arg6[%get3A_475], %get3A_477 masked %lt3A_480 : memref<8192xf32, #tpu.memory_space<vmem>>[vector<16xi32>], vector<16xf32>, vector<16xi1>
    %get3A_481 = arith.constant 1088 : index
    %get3A_482 = tpu.vector_load %arg7[%get3A_481] {strides = array<i32>} : memref<2048xi32, #tpu.memory_space<vmem>>, vector<16xi32>,
    %get3A_483 = arith.constant 1088 : index
    %get3A_484 = tpu.vector_load %arg8[%get3A_483] {strides = array<i32>} : memref<2048xf32, #tpu.memory_space<vmem>>, vector<16xf32>,
    %lt3A_485 = arith.constant 8192 : i32
    %lt3A_486 = vector.broadcast %lt3A_485 : i32 to vector<16xi32>
    %lt3A_487 = arith.cmpi slt, %get3A_482, %lt3A_486 : vector<16xi32>
    tpu.vector_store_idx %arg6[%get3A_482], %get3A_484 masked %lt3A_487 : memref<8192xf32, #tpu.memory_space<vmem>>[vector<16xi32>], vector<16xf32>, vector<16xi1>
    %get3A_488 = arith.constant 1104 : index
    %get3A_489 = tpu.vector_load %arg7[%get3A_488] {strides = array<i32>} : memref<2048xi32, #tpu.memory_space<vmem>>, vector<16xi32>,
    %get3A_490 = arith.constant 1104 : index
    %get3A_491 = tpu.vector_load %arg8[%get3A_490] {strides = array<i32>} : memref<2048xf32, #tpu.memory_space<vmem>>, vector<16xf32>,
    %lt3A_492 = arith.constant 8192 : i32
    %lt3A_493 = vector.broadcast %lt3A_492 : i32 to vector<16xi32>
    %lt3A_494 = arith.cmpi slt, %get3A_489, %lt3A_493 : vector<16xi32>
    tpu.vector_store_idx %arg6[%get3A_489], %get3A_491 masked %lt3A_494 : memref<8192xf32, #tpu.memory_space<vmem>>[vector<16xi32>], vector<16xf32>, vector<16xi1>
    %get3A_495 = arith.constant 1120 : index
    %get3A_496 = tpu.vector_load %arg7[%get3A_495] {strides = array<i32>} : memref<2048xi32, #tpu.memory_space<vmem>>, vector<16xi32>,
    %get3A_497 = arith.constant 1120 : index
    %get3A_498 = tpu.vector_load %arg8[%get3A_497] {strides = array<i32>} : memref<2048xf32, #tpu.memory_space<vmem>>, vector<16xf32>,
    %lt3A_499 = arith.constant 8192 : i32
    %lt3A_500 = vector.broadcast %lt3A_499 : i32 to vector<16xi32>
    %lt3A_501 = arith.cmpi slt, %get3A_496, %lt3A_500 : vector<16xi32>
    tpu.vector_store_idx %arg6[%get3A_496], %get3A_498 masked %lt3A_501 : memref<8192xf32, #tpu.memory_space<vmem>>[vector<16xi32>], vector<16xf32>, vector<16xi1>
    %get3A_502 = arith.constant 1136 : index
    %get3A_503 = tpu.vector_load %arg7[%get3A_502] {strides = array<i32>} : memref<2048xi32, #tpu.memory_space<vmem>>, vector<16xi32>,
    %get3A_504 = arith.constant 1136 : index
    %get3A_505 = tpu.vector_load %arg8[%get3A_504] {strides = array<i32>} : memref<2048xf32, #tpu.memory_space<vmem>>, vector<16xf32>,
    %lt3A_506 = arith.constant 8192 : i32
    %lt3A_507 = vector.broadcast %lt3A_506 : i32 to vector<16xi32>
    %lt3A_508 = arith.cmpi slt, %get3A_503, %lt3A_507 : vector<16xi32>
    tpu.vector_store_idx %arg6[%get3A_503], %get3A_505 masked %lt3A_508 : memref<8192xf32, #tpu.memory_space<vmem>>[vector<16xi32>], vector<16xf32>, vector<16xi1>
    %get3A_509 = arith.constant 1152 : index
    %get3A_510 = tpu.vector_load %arg7[%get3A_509] {strides = array<i32>} : memref<2048xi32, #tpu.memory_space<vmem>>, vector<16xi32>,
    %get3A_511 = arith.constant 1152 : index
    %get3A_512 = tpu.vector_load %arg8[%get3A_511] {strides = array<i32>} : memref<2048xf32, #tpu.memory_space<vmem>>, vector<16xf32>,
    %lt3A_513 = arith.constant 8192 : i32
    %lt3A_514 = vector.broadcast %lt3A_513 : i32 to vector<16xi32>
    %lt3A_515 = arith.cmpi slt, %get3A_510, %lt3A_514 : vector<16xi32>
    tpu.vector_store_idx %arg6[%get3A_510], %get3A_512 masked %lt3A_515 : memref<8192xf32, #tpu.memory_space<vmem>>[vector<16xi32>], vector<16xf32>, vector<16xi1>
    %get3A_516 = arith.constant 1168 : index
    %get3A_517 = tpu.vector_load %arg7[%get3A_516] {strides = array<i32>} : memref<2048xi32, #tpu.memory_space<vmem>>, vector<16xi32>,
    %get3A_518 = arith.constant 1168 : index
    %get3A_519 = tpu.vector_load %arg8[%get3A_518] {strides = array<i32>} : memref<2048xf32, #tpu.memory_space<vmem>>, vector<16xf32>,
    %lt3A_520 = arith.constant 8192 : i32
    %lt3A_521 = vector.broadcast %lt3A_520 : i32 to vector<16xi32>
    %lt3A_522 = arith.cmpi slt, %get3A_517, %lt3A_521 : vector<16xi32>
    tpu.vector_store_idx %arg6[%get3A_517], %get3A_519 masked %lt3A_522 : memref<8192xf32, #tpu.memory_space<vmem>>[vector<16xi32>], vector<16xf32>, vector<16xi1>
    %get3A_523 = arith.constant 1184 : index
    %get3A_524 = tpu.vector_load %arg7[%get3A_523] {strides = array<i32>} : memref<2048xi32, #tpu.memory_space<vmem>>, vector<16xi32>,
    %get3A_525 = arith.constant 1184 : index
    %get3A_526 = tpu.vector_load %arg8[%get3A_525] {strides = array<i32>} : memref<2048xf32, #tpu.memory_space<vmem>>, vector<16xf32>,
    %lt3A_527 = arith.constant 8192 : i32
    %lt3A_528 = vector.broadcast %lt3A_527 : i32 to vector<16xi32>
    %lt3A_529 = arith.cmpi slt, %get3A_524, %lt3A_528 : vector<16xi32>
    tpu.vector_store_idx %arg6[%get3A_524], %get3A_526 masked %lt3A_529 : memref<8192xf32, #tpu.memory_space<vmem>>[vector<16xi32>], vector<16xf32>, vector<16xi1>
    %get3A_530 = arith.constant 1200 : index
    %get3A_531 = tpu.vector_load %arg7[%get3A_530] {strides = array<i32>} : memref<2048xi32, #tpu.memory_space<vmem>>, vector<16xi32>,
    %get3A_532 = arith.constant 1200 : index
    %get3A_533 = tpu.vector_load %arg8[%get3A_532] {strides = array<i32>} : memref<2048xf32, #tpu.memory_space<vmem>>, vector<16xf32>,
    %lt3A_534 = arith.constant 8192 : i32
    %lt3A_535 = vector.broadcast %lt3A_534 : i32 to vector<16xi32>
    %lt3A_536 = arith.cmpi slt, %get3A_531, %lt3A_535 : vector<16xi32>
    tpu.vector_store_idx %arg6[%get3A_531], %get3A_533 masked %lt3A_536 : memref<8192xf32, #tpu.memory_space<vmem>>[vector<16xi32>], vector<16xf32>, vector<16xi1>
    %get3A_537 = arith.constant 1216 : index
    %get3A_538 = tpu.vector_load %arg7[%get3A_537] {strides = array<i32>} : memref<2048xi32, #tpu.memory_space<vmem>>, vector<16xi32>,
    %get3A_539 = arith.constant 1216 : index
    %get3A_540 = tpu.vector_load %arg8[%get3A_539] {strides = array<i32>} : memref<2048xf32, #tpu.memory_space<vmem>>, vector<16xf32>,
    %lt3A_541 = arith.constant 8192 : i32
    %lt3A_542 = vector.broadcast %lt3A_541 : i32 to vector<16xi32>
    %lt3A_543 = arith.cmpi slt, %get3A_538, %lt3A_542 : vector<16xi32>
    tpu.vector_store_idx %arg6[%get3A_538], %get3A_540 masked %lt3A_543 : memref<8192xf32, #tpu.memory_space<vmem>>[vector<16xi32>], vector<16xf32>, vector<16xi1>
    %get3A_544 = arith.constant 1232 : index
    %get3A_545 = tpu.vector_load %arg7[%get3A_544] {strides = array<i32>} : memref<2048xi32, #tpu.memory_space<vmem>>, vector<16xi32>,
    %get3A_546 = arith.constant 1232 : index
    %get3A_547 = tpu.vector_load %arg8[%get3A_546] {strides = array<i32>} : memref<2048xf32, #tpu.memory_space<vmem>>, vector<16xf32>,
    %lt3A_548 = arith.constant 8192 : i32
    %lt3A_549 = vector.broadcast %lt3A_548 : i32 to vector<16xi32>
    %lt3A_550 = arith.cmpi slt, %get3A_545, %lt3A_549 : vector<16xi32>
    tpu.vector_store_idx %arg6[%get3A_545], %get3A_547 masked %lt3A_550 : memref<8192xf32, #tpu.memory_space<vmem>>[vector<16xi32>], vector<16xf32>, vector<16xi1>
    %get3A_551 = arith.constant 1248 : index
    %get3A_552 = tpu.vector_load %arg7[%get3A_551] {strides = array<i32>} : memref<2048xi32, #tpu.memory_space<vmem>>, vector<16xi32>,
    %get3A_553 = arith.constant 1248 : index
    %get3A_554 = tpu.vector_load %arg8[%get3A_553] {strides = array<i32>} : memref<2048xf32, #tpu.memory_space<vmem>>, vector<16xf32>,
    %lt3A_555 = arith.constant 8192 : i32
    %lt3A_556 = vector.broadcast %lt3A_555 : i32 to vector<16xi32>
    %lt3A_557 = arith.cmpi slt, %get3A_552, %lt3A_556 : vector<16xi32>
    tpu.vector_store_idx %arg6[%get3A_552], %get3A_554 masked %lt3A_557 : memref<8192xf32, #tpu.memory_space<vmem>>[vector<16xi32>], vector<16xf32>, vector<16xi1>
    %get3A_558 = arith.constant 1264 : index
    %get3A_559 = tpu.vector_load %arg7[%get3A_558] {strides = array<i32>} : memref<2048xi32, #tpu.memory_space<vmem>>, vector<16xi32>,
    %get3A_560 = arith.constant 1264 : index
    %get3A_561 = tpu.vector_load %arg8[%get3A_560] {strides = array<i32>} : memref<2048xf32, #tpu.memory_space<vmem>>, vector<16xf32>,
    %lt3A_562 = arith.constant 8192 : i32
    %lt3A_563 = vector.broadcast %lt3A_562 : i32 to vector<16xi32>
    %lt3A_564 = arith.cmpi slt, %get3A_559, %lt3A_563 : vector<16xi32>
    tpu.vector_store_idx %arg6[%get3A_559], %get3A_561 masked %lt3A_564 : memref<8192xf32, #tpu.memory_space<vmem>>[vector<16xi32>], vector<16xf32>, vector<16xi1>
    %get3A_565 = arith.constant 1280 : index
    %get3A_566 = tpu.vector_load %arg7[%get3A_565] {strides = array<i32>} : memref<2048xi32, #tpu.memory_space<vmem>>, vector<16xi32>,
    %get3A_567 = arith.constant 1280 : index
    %get3A_568 = tpu.vector_load %arg8[%get3A_567] {strides = array<i32>} : memref<2048xf32, #tpu.memory_space<vmem>>, vector<16xf32>,
    %lt3A_569 = arith.constant 8192 : i32
    %lt3A_570 = vector.broadcast %lt3A_569 : i32 to vector<16xi32>
    %lt3A_571 = arith.cmpi slt, %get3A_566, %lt3A_570 : vector<16xi32>
    tpu.vector_store_idx %arg6[%get3A_566], %get3A_568 masked %lt3A_571 : memref<8192xf32, #tpu.memory_space<vmem>>[vector<16xi32>], vector<16xf32>, vector<16xi1>
    %get3A_572 = arith.constant 1296 : index
    %get3A_573 = tpu.vector_load %arg7[%get3A_572] {strides = array<i32>} : memref<2048xi32, #tpu.memory_space<vmem>>, vector<16xi32>,
    %get3A_574 = arith.constant 1296 : index
    %get3A_575 = tpu.vector_load %arg8[%get3A_574] {strides = array<i32>} : memref<2048xf32, #tpu.memory_space<vmem>>, vector<16xf32>,
    %lt3A_576 = arith.constant 8192 : i32
    %lt3A_577 = vector.broadcast %lt3A_576 : i32 to vector<16xi32>
    %lt3A_578 = arith.cmpi slt, %get3A_573, %lt3A_577 : vector<16xi32>
    tpu.vector_store_idx %arg6[%get3A_573], %get3A_575 masked %lt3A_578 : memref<8192xf32, #tpu.memory_space<vmem>>[vector<16xi32>], vector<16xf32>, vector<16xi1>
    %get3A_579 = arith.constant 1312 : index
    %get3A_580 = tpu.vector_load %arg7[%get3A_579] {strides = array<i32>} : memref<2048xi32, #tpu.memory_space<vmem>>, vector<16xi32>,
    %get3A_581 = arith.constant 1312 : index
    %get3A_582 = tpu.vector_load %arg8[%get3A_581] {strides = array<i32>} : memref<2048xf32, #tpu.memory_space<vmem>>, vector<16xf32>,
    %lt3A_583 = arith.constant 8192 : i32
    %lt3A_584 = vector.broadcast %lt3A_583 : i32 to vector<16xi32>
    %lt3A_585 = arith.cmpi slt, %get3A_580, %lt3A_584 : vector<16xi32>
    tpu.vector_store_idx %arg6[%get3A_580], %get3A_582 masked %lt3A_585 : memref<8192xf32, #tpu.memory_space<vmem>>[vector<16xi32>], vector<16xf32>, vector<16xi1>
    %get3A_586 = arith.constant 1328 : index
    %get3A_587 = tpu.vector_load %arg7[%get3A_586] {strides = array<i32>} : memref<2048xi32, #tpu.memory_space<vmem>>, vector<16xi32>,
    %get3A_588 = arith.constant 1328 : index
    %get3A_589 = tpu.vector_load %arg8[%get3A_588] {strides = array<i32>} : memref<2048xf32, #tpu.memory_space<vmem>>, vector<16xf32>,
    %lt3A_590 = arith.constant 8192 : i32
    %lt3A_591 = vector.broadcast %lt3A_590 : i32 to vector<16xi32>
    %lt3A_592 = arith.cmpi slt, %get3A_587, %lt3A_591 : vector<16xi32>
    tpu.vector_store_idx %arg6[%get3A_587], %get3A_589 masked %lt3A_592 : memref<8192xf32, #tpu.memory_space<vmem>>[vector<16xi32>], vector<16xf32>, vector<16xi1>
    %get3A_593 = arith.constant 1344 : index
    %get3A_594 = tpu.vector_load %arg7[%get3A_593] {strides = array<i32>} : memref<2048xi32, #tpu.memory_space<vmem>>, vector<16xi32>,
    %get3A_595 = arith.constant 1344 : index
    %get3A_596 = tpu.vector_load %arg8[%get3A_595] {strides = array<i32>} : memref<2048xf32, #tpu.memory_space<vmem>>, vector<16xf32>,
    %lt3A_597 = arith.constant 8192 : i32
    %lt3A_598 = vector.broadcast %lt3A_597 : i32 to vector<16xi32>
    %lt3A_599 = arith.cmpi slt, %get3A_594, %lt3A_598 : vector<16xi32>
    tpu.vector_store_idx %arg6[%get3A_594], %get3A_596 masked %lt3A_599 : memref<8192xf32, #tpu.memory_space<vmem>>[vector<16xi32>], vector<16xf32>, vector<16xi1>
    %get3A_600 = arith.constant 1360 : index
    %get3A_601 = tpu.vector_load %arg7[%get3A_600] {strides = array<i32>} : memref<2048xi32, #tpu.memory_space<vmem>>, vector<16xi32>,
    %get3A_602 = arith.constant 1360 : index
    %get3A_603 = tpu.vector_load %arg8[%get3A_602] {strides = array<i32>} : memref<2048xf32, #tpu.memory_space<vmem>>, vector<16xf32>,
    %lt3A_604 = arith.constant 8192 : i32
    %lt3A_605 = vector.broadcast %lt3A_604 : i32 to vector<16xi32>
    %lt3A_606 = arith.cmpi slt, %get3A_601, %lt3A_605 : vector<16xi32>
    tpu.vector_store_idx %arg6[%get3A_601], %get3A_603 masked %lt3A_606 : memref<8192xf32, #tpu.memory_space<vmem>>[vector<16xi32>], vector<16xf32>, vector<16xi1>
    %get3A_607 = arith.constant 1376 : index
    %get3A_608 = tpu.vector_load %arg7[%get3A_607] {strides = array<i32>} : memref<2048xi32, #tpu.memory_space<vmem>>, vector<16xi32>,
    %get3A_609 = arith.constant 1376 : index
    %get3A_610 = tpu.vector_load %arg8[%get3A_609] {strides = array<i32>} : memref<2048xf32, #tpu.memory_space<vmem>>, vector<16xf32>,
    %lt3A_611 = arith.constant 8192 : i32
    %lt3A_612 = vector.broadcast %lt3A_611 : i32 to vector<16xi32>
    %lt3A_613 = arith.cmpi slt, %get3A_608, %lt3A_612 : vector<16xi32>
    tpu.vector_store_idx %arg6[%get3A_608], %get3A_610 masked %lt3A_613 : memref<8192xf32, #tpu.memory_space<vmem>>[vector<16xi32>], vector<16xf32>, vector<16xi1>
    %get3A_614 = arith.constant 1392 : index
    %get3A_615 = tpu.vector_load %arg7[%get3A_614] {strides = array<i32>} : memref<2048xi32, #tpu.memory_space<vmem>>, vector<16xi32>,
    %get3A_616 = arith.constant 1392 : index
    %get3A_617 = tpu.vector_load %arg8[%get3A_616] {strides = array<i32>} : memref<2048xf32, #tpu.memory_space<vmem>>, vector<16xf32>,
    %lt3A_618 = arith.constant 8192 : i32
    %lt3A_619 = vector.broadcast %lt3A_618 : i32 to vector<16xi32>
    %lt3A_620 = arith.cmpi slt, %get3A_615, %lt3A_619 : vector<16xi32>
    tpu.vector_store_idx %arg6[%get3A_615], %get3A_617 masked %lt3A_620 : memref<8192xf32, #tpu.memory_space<vmem>>[vector<16xi32>], vector<16xf32>, vector<16xi1>
    %get3A_621 = arith.constant 1408 : index
    %get3A_622 = tpu.vector_load %arg7[%get3A_621] {strides = array<i32>} : memref<2048xi32, #tpu.memory_space<vmem>>, vector<16xi32>,
    %get3A_623 = arith.constant 1408 : index
    %get3A_624 = tpu.vector_load %arg8[%get3A_623] {strides = array<i32>} : memref<2048xf32, #tpu.memory_space<vmem>>, vector<16xf32>,
    %lt3A_625 = arith.constant 8192 : i32
    %lt3A_626 = vector.broadcast %lt3A_625 : i32 to vector<16xi32>
    %lt3A_627 = arith.cmpi slt, %get3A_622, %lt3A_626 : vector<16xi32>
    tpu.vector_store_idx %arg6[%get3A_622], %get3A_624 masked %lt3A_627 : memref<8192xf32, #tpu.memory_space<vmem>>[vector<16xi32>], vector<16xf32>, vector<16xi1>
    %get3A_628 = arith.constant 1424 : index
    %get3A_629 = tpu.vector_load %arg7[%get3A_628] {strides = array<i32>} : memref<2048xi32, #tpu.memory_space<vmem>>, vector<16xi32>,
    %get3A_630 = arith.constant 1424 : index
    %get3A_631 = tpu.vector_load %arg8[%get3A_630] {strides = array<i32>} : memref<2048xf32, #tpu.memory_space<vmem>>, vector<16xf32>,
    %lt3A_632 = arith.constant 8192 : i32
    %lt3A_633 = vector.broadcast %lt3A_632 : i32 to vector<16xi32>
    %lt3A_634 = arith.cmpi slt, %get3A_629, %lt3A_633 : vector<16xi32>
    tpu.vector_store_idx %arg6[%get3A_629], %get3A_631 masked %lt3A_634 : memref<8192xf32, #tpu.memory_space<vmem>>[vector<16xi32>], vector<16xf32>, vector<16xi1>
    %get3A_635 = arith.constant 1440 : index
    %get3A_636 = tpu.vector_load %arg7[%get3A_635] {strides = array<i32>} : memref<2048xi32, #tpu.memory_space<vmem>>, vector<16xi32>,
    %get3A_637 = arith.constant 1440 : index
    %get3A_638 = tpu.vector_load %arg8[%get3A_637] {strides = array<i32>} : memref<2048xf32, #tpu.memory_space<vmem>>, vector<16xf32>,
    %lt3A_639 = arith.constant 8192 : i32
    %lt3A_640 = vector.broadcast %lt3A_639 : i32 to vector<16xi32>
    %lt3A_641 = arith.cmpi slt, %get3A_636, %lt3A_640 : vector<16xi32>
    tpu.vector_store_idx %arg6[%get3A_636], %get3A_638 masked %lt3A_641 : memref<8192xf32, #tpu.memory_space<vmem>>[vector<16xi32>], vector<16xf32>, vector<16xi1>
    %get3A_642 = arith.constant 1456 : index
    %get3A_643 = tpu.vector_load %arg7[%get3A_642] {strides = array<i32>} : memref<2048xi32, #tpu.memory_space<vmem>>, vector<16xi32>,
    %get3A_644 = arith.constant 1456 : index
    %get3A_645 = tpu.vector_load %arg8[%get3A_644] {strides = array<i32>} : memref<2048xf32, #tpu.memory_space<vmem>>, vector<16xf32>,
    %lt3A_646 = arith.constant 8192 : i32
    %lt3A_647 = vector.broadcast %lt3A_646 : i32 to vector<16xi32>
    %lt3A_648 = arith.cmpi slt, %get3A_643, %lt3A_647 : vector<16xi32>
    tpu.vector_store_idx %arg6[%get3A_643], %get3A_645 masked %lt3A_648 : memref<8192xf32, #tpu.memory_space<vmem>>[vector<16xi32>], vector<16xf32>, vector<16xi1>
    %get3A_649 = arith.constant 1472 : index
    %get3A_650 = tpu.vector_load %arg7[%get3A_649] {strides = array<i32>} : memref<2048xi32, #tpu.memory_space<vmem>>, vector<16xi32>,
    %get3A_651 = arith.constant 1472 : index
    %get3A_652 = tpu.vector_load %arg8[%get3A_651] {strides = array<i32>} : memref<2048xf32, #tpu.memory_space<vmem>>, vector<16xf32>,
    %lt3A_653 = arith.constant 8192 : i32
    %lt3A_654 = vector.broadcast %lt3A_653 : i32 to vector<16xi32>
    %lt3A_655 = arith.cmpi slt, %get3A_650, %lt3A_654 : vector<16xi32>
    tpu.vector_store_idx %arg6[%get3A_650], %get3A_652 masked %lt3A_655 : memref<8192xf32, #tpu.memory_space<vmem>>[vector<16xi32>], vector<16xf32>, vector<16xi1>
    %get3A_656 = arith.constant 1488 : index
    %get3A_657 = tpu.vector_load %arg7[%get3A_656] {strides = array<i32>} : memref<2048xi32, #tpu.memory_space<vmem>>, vector<16xi32>,
    %get3A_658 = arith.constant 1488 : index
    %get3A_659 = tpu.vector_load %arg8[%get3A_658] {strides = array<i32>} : memref<2048xf32, #tpu.memory_space<vmem>>, vector<16xf32>,
    %lt3A_660 = arith.constant 8192 : i32
    %lt3A_661 = vector.broadcast %lt3A_660 : i32 to vector<16xi32>
    %lt3A_662 = arith.cmpi slt, %get3A_657, %lt3A_661 : vector<16xi32>
    tpu.vector_store_idx %arg6[%get3A_657], %get3A_659 masked %lt3A_662 : memref<8192xf32, #tpu.memory_space<vmem>>[vector<16xi32>], vector<16xf32>, vector<16xi1>
    %get3A_663 = arith.constant 1504 : index
    %get3A_664 = tpu.vector_load %arg7[%get3A_663] {strides = array<i32>} : memref<2048xi32, #tpu.memory_space<vmem>>, vector<16xi32>,
    %get3A_665 = arith.constant 1504 : index
    %get3A_666 = tpu.vector_load %arg8[%get3A_665] {strides = array<i32>} : memref<2048xf32, #tpu.memory_space<vmem>>, vector<16xf32>,
    %lt3A_667 = arith.constant 8192 : i32
    %lt3A_668 = vector.broadcast %lt3A_667 : i32 to vector<16xi32>
    %lt3A_669 = arith.cmpi slt, %get3A_664, %lt3A_668 : vector<16xi32>
    tpu.vector_store_idx %arg6[%get3A_664], %get3A_666 masked %lt3A_669 : memref<8192xf32, #tpu.memory_space<vmem>>[vector<16xi32>], vector<16xf32>, vector<16xi1>
    %get3A_670 = arith.constant 1520 : index
    %get3A_671 = tpu.vector_load %arg7[%get3A_670] {strides = array<i32>} : memref<2048xi32, #tpu.memory_space<vmem>>, vector<16xi32>,
    %get3A_672 = arith.constant 1520 : index
    %get3A_673 = tpu.vector_load %arg8[%get3A_672] {strides = array<i32>} : memref<2048xf32, #tpu.memory_space<vmem>>, vector<16xf32>,
    %lt3A_674 = arith.constant 8192 : i32
    %lt3A_675 = vector.broadcast %lt3A_674 : i32 to vector<16xi32>
    %lt3A_676 = arith.cmpi slt, %get3A_671, %lt3A_675 : vector<16xi32>
    tpu.vector_store_idx %arg6[%get3A_671], %get3A_673 masked %lt3A_676 : memref<8192xf32, #tpu.memory_space<vmem>>[vector<16xi32>], vector<16xf32>, vector<16xi1>
    %get3A_677 = arith.constant 1536 : index
    %get3A_678 = tpu.vector_load %arg7[%get3A_677] {strides = array<i32>} : memref<2048xi32, #tpu.memory_space<vmem>>, vector<16xi32>,
    %get3A_679 = arith.constant 1536 : index
    %get3A_680 = tpu.vector_load %arg8[%get3A_679] {strides = array<i32>} : memref<2048xf32, #tpu.memory_space<vmem>>, vector<16xf32>,
    %lt3A_681 = arith.constant 8192 : i32
    %lt3A_682 = vector.broadcast %lt3A_681 : i32 to vector<16xi32>
    %lt3A_683 = arith.cmpi slt, %get3A_678, %lt3A_682 : vector<16xi32>
    tpu.vector_store_idx %arg6[%get3A_678], %get3A_680 masked %lt3A_683 : memref<8192xf32, #tpu.memory_space<vmem>>[vector<16xi32>], vector<16xf32>, vector<16xi1>
    %get3A_684 = arith.constant 1552 : index
    %get3A_685 = tpu.vector_load %arg7[%get3A_684] {strides = array<i32>} : memref<2048xi32, #tpu.memory_space<vmem>>, vector<16xi32>,
    %get3A_686 = arith.constant 1552 : index
    %get3A_687 = tpu.vector_load %arg8[%get3A_686] {strides = array<i32>} : memref<2048xf32, #tpu.memory_space<vmem>>, vector<16xf32>,
    %lt3A_688 = arith.constant 8192 : i32
    %lt3A_689 = vector.broadcast %lt3A_688 : i32 to vector<16xi32>
    %lt3A_690 = arith.cmpi slt, %get3A_685, %lt3A_689 : vector<16xi32>
    tpu.vector_store_idx %arg6[%get3A_685], %get3A_687 masked %lt3A_690 : memref<8192xf32, #tpu.memory_space<vmem>>[vector<16xi32>], vector<16xf32>, vector<16xi1>
    %get3A_691 = arith.constant 1568 : index
    %get3A_692 = tpu.vector_load %arg7[%get3A_691] {strides = array<i32>} : memref<2048xi32, #tpu.memory_space<vmem>>, vector<16xi32>,
    %get3A_693 = arith.constant 1568 : index
    %get3A_694 = tpu.vector_load %arg8[%get3A_693] {strides = array<i32>} : memref<2048xf32, #tpu.memory_space<vmem>>, vector<16xf32>,
    %lt3A_695 = arith.constant 8192 : i32
    %lt3A_696 = vector.broadcast %lt3A_695 : i32 to vector<16xi32>
    %lt3A_697 = arith.cmpi slt, %get3A_692, %lt3A_696 : vector<16xi32>
    tpu.vector_store_idx %arg6[%get3A_692], %get3A_694 masked %lt3A_697 : memref<8192xf32, #tpu.memory_space<vmem>>[vector<16xi32>], vector<16xf32>, vector<16xi1>
    %get3A_698 = arith.constant 1584 : index
    %get3A_699 = tpu.vector_load %arg7[%get3A_698] {strides = array<i32>} : memref<2048xi32, #tpu.memory_space<vmem>>, vector<16xi32>,
    %get3A_700 = arith.constant 1584 : index
    %get3A_701 = tpu.vector_load %arg8[%get3A_700] {strides = array<i32>} : memref<2048xf32, #tpu.memory_space<vmem>>, vector<16xf32>,
    %lt3A_702 = arith.constant 8192 : i32
    %lt3A_703 = vector.broadcast %lt3A_702 : i32 to vector<16xi32>
    %lt3A_704 = arith.cmpi slt, %get3A_699, %lt3A_703 : vector<16xi32>
    tpu.vector_store_idx %arg6[%get3A_699], %get3A_701 masked %lt3A_704 : memref<8192xf32, #tpu.memory_space<vmem>>[vector<16xi32>], vector<16xf32>, vector<16xi1>
    %get3A_705 = arith.constant 1600 : index
    %get3A_706 = tpu.vector_load %arg7[%get3A_705] {strides = array<i32>} : memref<2048xi32, #tpu.memory_space<vmem>>, vector<16xi32>,
    %get3A_707 = arith.constant 1600 : index
    %get3A_708 = tpu.vector_load %arg8[%get3A_707] {strides = array<i32>} : memref<2048xf32, #tpu.memory_space<vmem>>, vector<16xf32>,
    %lt3A_709 = arith.constant 8192 : i32
    %lt3A_710 = vector.broadcast %lt3A_709 : i32 to vector<16xi32>
    %lt3A_711 = arith.cmpi slt, %get3A_706, %lt3A_710 : vector<16xi32>
    tpu.vector_store_idx %arg6[%get3A_706], %get3A_708 masked %lt3A_711 : memref<8192xf32, #tpu.memory_space<vmem>>[vector<16xi32>], vector<16xf32>, vector<16xi1>
    %get3A_712 = arith.constant 1616 : index
    %get3A_713 = tpu.vector_load %arg7[%get3A_712] {strides = array<i32>} : memref<2048xi32, #tpu.memory_space<vmem>>, vector<16xi32>,
    %get3A_714 = arith.constant 1616 : index
    %get3A_715 = tpu.vector_load %arg8[%get3A_714] {strides = array<i32>} : memref<2048xf32, #tpu.memory_space<vmem>>, vector<16xf32>,
    %lt3A_716 = arith.constant 8192 : i32
    %lt3A_717 = vector.broadcast %lt3A_716 : i32 to vector<16xi32>
    %lt3A_718 = arith.cmpi slt, %get3A_713, %lt3A_717 : vector<16xi32>
    tpu.vector_store_idx %arg6[%get3A_713], %get3A_715 masked %lt3A_718 : memref<8192xf32, #tpu.memory_space<vmem>>[vector<16xi32>], vector<16xf32>, vector<16xi1>
    %get3A_719 = arith.constant 1632 : index
    %get3A_720 = tpu.vector_load %arg7[%get3A_719] {strides = array<i32>} : memref<2048xi32, #tpu.memory_space<vmem>>, vector<16xi32>,
    %get3A_721 = arith.constant 1632 : index
    %get3A_722 = tpu.vector_load %arg8[%get3A_721] {strides = array<i32>} : memref<2048xf32, #tpu.memory_space<vmem>>, vector<16xf32>,
    %lt3A_723 = arith.constant 8192 : i32
    %lt3A_724 = vector.broadcast %lt3A_723 : i32 to vector<16xi32>
    %lt3A_725 = arith.cmpi slt, %get3A_720, %lt3A_724 : vector<16xi32>
    tpu.vector_store_idx %arg6[%get3A_720], %get3A_722 masked %lt3A_725 : memref<8192xf32, #tpu.memory_space<vmem>>[vector<16xi32>], vector<16xf32>, vector<16xi1>
    %get3A_726 = arith.constant 1648 : index
    %get3A_727 = tpu.vector_load %arg7[%get3A_726] {strides = array<i32>} : memref<2048xi32, #tpu.memory_space<vmem>>, vector<16xi32>,
    %get3A_728 = arith.constant 1648 : index
    %get3A_729 = tpu.vector_load %arg8[%get3A_728] {strides = array<i32>} : memref<2048xf32, #tpu.memory_space<vmem>>, vector<16xf32>,
    %lt3A_730 = arith.constant 8192 : i32
    %lt3A_731 = vector.broadcast %lt3A_730 : i32 to vector<16xi32>
    %lt3A_732 = arith.cmpi slt, %get3A_727, %lt3A_731 : vector<16xi32>
    tpu.vector_store_idx %arg6[%get3A_727], %get3A_729 masked %lt3A_732 : memref<8192xf32, #tpu.memory_space<vmem>>[vector<16xi32>], vector<16xf32>, vector<16xi1>
    %get3A_733 = arith.constant 1664 : index
    %get3A_734 = tpu.vector_load %arg7[%get3A_733] {strides = array<i32>} : memref<2048xi32, #tpu.memory_space<vmem>>, vector<16xi32>,
    %get3A_735 = arith.constant 1664 : index
    %get3A_736 = tpu.vector_load %arg8[%get3A_735] {strides = array<i32>} : memref<2048xf32, #tpu.memory_space<vmem>>, vector<16xf32>,
    %lt3A_737 = arith.constant 8192 : i32
    %lt3A_738 = vector.broadcast %lt3A_737 : i32 to vector<16xi32>
    %lt3A_739 = arith.cmpi slt, %get3A_734, %lt3A_738 : vector<16xi32>
    tpu.vector_store_idx %arg6[%get3A_734], %get3A_736 masked %lt3A_739 : memref<8192xf32, #tpu.memory_space<vmem>>[vector<16xi32>], vector<16xf32>, vector<16xi1>
    %get3A_740 = arith.constant 1680 : index
    %get3A_741 = tpu.vector_load %arg7[%get3A_740] {strides = array<i32>} : memref<2048xi32, #tpu.memory_space<vmem>>, vector<16xi32>,
    %get3A_742 = arith.constant 1680 : index
    %get3A_743 = tpu.vector_load %arg8[%get3A_742] {strides = array<i32>} : memref<2048xf32, #tpu.memory_space<vmem>>, vector<16xf32>,
    %lt3A_744 = arith.constant 8192 : i32
    %lt3A_745 = vector.broadcast %lt3A_744 : i32 to vector<16xi32>
    %lt3A_746 = arith.cmpi slt, %get3A_741, %lt3A_745 : vector<16xi32>
    tpu.vector_store_idx %arg6[%get3A_741], %get3A_743 masked %lt3A_746 : memref<8192xf32, #tpu.memory_space<vmem>>[vector<16xi32>], vector<16xf32>, vector<16xi1>
    %get3A_747 = arith.constant 1696 : index
    %get3A_748 = tpu.vector_load %arg7[%get3A_747] {strides = array<i32>} : memref<2048xi32, #tpu.memory_space<vmem>>, vector<16xi32>,
    %get3A_749 = arith.constant 1696 : index
    %get3A_750 = tpu.vector_load %arg8[%get3A_749] {strides = array<i32>} : memref<2048xf32, #tpu.memory_space<vmem>>, vector<16xf32>,
    %lt3A_751 = arith.constant 8192 : i32
    %lt3A_752 = vector.broadcast %lt3A_751 : i32 to vector<16xi32>
    %lt3A_753 = arith.cmpi slt, %get3A_748, %lt3A_752 : vector<16xi32>
    tpu.vector_store_idx %arg6[%get3A_748], %get3A_750 masked %lt3A_753 : memref<8192xf32, #tpu.memory_space<vmem>>[vector<16xi32>], vector<16xf32>, vector<16xi1>
    %get3A_754 = arith.constant 1712 : index
    %get3A_755 = tpu.vector_load %arg7[%get3A_754] {strides = array<i32>} : memref<2048xi32, #tpu.memory_space<vmem>>, vector<16xi32>,
    %get3A_756 = arith.constant 1712 : index
    %get3A_757 = tpu.vector_load %arg8[%get3A_756] {strides = array<i32>} : memref<2048xf32, #tpu.memory_space<vmem>>, vector<16xf32>,
    %lt3A_758 = arith.constant 8192 : i32
    %lt3A_759 = vector.broadcast %lt3A_758 : i32 to vector<16xi32>
    %lt3A_760 = arith.cmpi slt, %get3A_755, %lt3A_759 : vector<16xi32>
    tpu.vector_store_idx %arg6[%get3A_755], %get3A_757 masked %lt3A_760 : memref<8192xf32, #tpu.memory_space<vmem>>[vector<16xi32>], vector<16xf32>, vector<16xi1>
    %get3A_761 = arith.constant 1728 : index
    %get3A_762 = tpu.vector_load %arg7[%get3A_761] {strides = array<i32>} : memref<2048xi32, #tpu.memory_space<vmem>>, vector<16xi32>,
    %get3A_763 = arith.constant 1728 : index
    %get3A_764 = tpu.vector_load %arg8[%get3A_763] {strides = array<i32>} : memref<2048xf32, #tpu.memory_space<vmem>>, vector<16xf32>,
    %lt3A_765 = arith.constant 8192 : i32
    %lt3A_766 = vector.broadcast %lt3A_765 : i32 to vector<16xi32>
    %lt3A_767 = arith.cmpi slt, %get3A_762, %lt3A_766 : vector<16xi32>
    tpu.vector_store_idx %arg6[%get3A_762], %get3A_764 masked %lt3A_767 : memref<8192xf32, #tpu.memory_space<vmem>>[vector<16xi32>], vector<16xf32>, vector<16xi1>
    %get3A_768 = arith.constant 1744 : index
    %get3A_769 = tpu.vector_load %arg7[%get3A_768] {strides = array<i32>} : memref<2048xi32, #tpu.memory_space<vmem>>, vector<16xi32>,
    %get3A_770 = arith.constant 1744 : index
    %get3A_771 = tpu.vector_load %arg8[%get3A_770] {strides = array<i32>} : memref<2048xf32, #tpu.memory_space<vmem>>, vector<16xf32>,
    %lt3A_772 = arith.constant 8192 : i32
    %lt3A_773 = vector.broadcast %lt3A_772 : i32 to vector<16xi32>
    %lt3A_774 = arith.cmpi slt, %get3A_769, %lt3A_773 : vector<16xi32>
    tpu.vector_store_idx %arg6[%get3A_769], %get3A_771 masked %lt3A_774 : memref<8192xf32, #tpu.memory_space<vmem>>[vector<16xi32>], vector<16xf32>, vector<16xi1>
    %get3A_775 = arith.constant 1760 : index
    %get3A_776 = tpu.vector_load %arg7[%get3A_775] {strides = array<i32>} : memref<2048xi32, #tpu.memory_space<vmem>>, vector<16xi32>,
    %get3A_777 = arith.constant 1760 : index
    %get3A_778 = tpu.vector_load %arg8[%get3A_777] {strides = array<i32>} : memref<2048xf32, #tpu.memory_space<vmem>>, vector<16xf32>,
    %lt3A_779 = arith.constant 8192 : i32
    %lt3A_780 = vector.broadcast %lt3A_779 : i32 to vector<16xi32>
    %lt3A_781 = arith.cmpi slt, %get3A_776, %lt3A_780 : vector<16xi32>
    tpu.vector_store_idx %arg6[%get3A_776], %get3A_778 masked %lt3A_781 : memref<8192xf32, #tpu.memory_space<vmem>>[vector<16xi32>], vector<16xf32>, vector<16xi1>
    %get3A_782 = arith.constant 1776 : index
    %get3A_783 = tpu.vector_load %arg7[%get3A_782] {strides = array<i32>} : memref<2048xi32, #tpu.memory_space<vmem>>, vector<16xi32>,
    %get3A_784 = arith.constant 1776 : index
    %get3A_785 = tpu.vector_load %arg8[%get3A_784] {strides = array<i32>} : memref<2048xf32, #tpu.memory_space<vmem>>, vector<16xf32>,
    %lt3A_786 = arith.constant 8192 : i32
    %lt3A_787 = vector.broadcast %lt3A_786 : i32 to vector<16xi32>
    %lt3A_788 = arith.cmpi slt, %get3A_783, %lt3A_787 : vector<16xi32>
    tpu.vector_store_idx %arg6[%get3A_783], %get3A_785 masked %lt3A_788 : memref<8192xf32, #tpu.memory_space<vmem>>[vector<16xi32>], vector<16xf32>, vector<16xi1>
    %get3A_789 = arith.constant 1792 : index
    %get3A_790 = tpu.vector_load %arg7[%get3A_789] {strides = array<i32>} : memref<2048xi32, #tpu.memory_space<vmem>>, vector<16xi32>,
    %get3A_791 = arith.constant 1792 : index
    %get3A_792 = tpu.vector_load %arg8[%get3A_791] {strides = array<i32>} : memref<2048xf32, #tpu.memory_space<vmem>>, vector<16xf32>,
    %lt3A_793 = arith.constant 8192 : i32
    %lt3A_794 = vector.broadcast %lt3A_793 : i32 to vector<16xi32>
    %lt3A_795 = arith.cmpi slt, %get3A_790, %lt3A_794 : vector<16xi32>
    tpu.vector_store_idx %arg6[%get3A_790], %get3A_792 masked %lt3A_795 : memref<8192xf32, #tpu.memory_space<vmem>>[vector<16xi32>], vector<16xf32>, vector<16xi1>
    %get3A_796 = arith.constant 1808 : index
    %get3A_797 = tpu.vector_load %arg7[%get3A_796] {strides = array<i32>} : memref<2048xi32, #tpu.memory_space<vmem>>, vector<16xi32>,
    %get3A_798 = arith.constant 1808 : index
    %get3A_799 = tpu.vector_load %arg8[%get3A_798] {strides = array<i32>} : memref<2048xf32, #tpu.memory_space<vmem>>, vector<16xf32>,
    %lt3A_800 = arith.constant 8192 : i32
    %lt3A_801 = vector.broadcast %lt3A_800 : i32 to vector<16xi32>
    %lt3A_802 = arith.cmpi slt, %get3A_797, %lt3A_801 : vector<16xi32>
    tpu.vector_store_idx %arg6[%get3A_797], %get3A_799 masked %lt3A_802 : memref<8192xf32, #tpu.memory_space<vmem>>[vector<16xi32>], vector<16xf32>, vector<16xi1>
    %get3A_803 = arith.constant 1824 : index
    %get3A_804 = tpu.vector_load %arg7[%get3A_803] {strides = array<i32>} : memref<2048xi32, #tpu.memory_space<vmem>>, vector<16xi32>,
    %get3A_805 = arith.constant 1824 : index
    %get3A_806 = tpu.vector_load %arg8[%get3A_805] {strides = array<i32>} : memref<2048xf32, #tpu.memory_space<vmem>>, vector<16xf32>,
    %lt3A_807 = arith.constant 8192 : i32
    %lt3A_808 = vector.broadcast %lt3A_807 : i32 to vector<16xi32>
    %lt3A_809 = arith.cmpi slt, %get3A_804, %lt3A_808 : vector<16xi32>
    tpu.vector_store_idx %arg6[%get3A_804], %get3A_806 masked %lt3A_809 : memref<8192xf32, #tpu.memory_space<vmem>>[vector<16xi32>], vector<16xf32>, vector<16xi1>
    %get3A_810 = arith.constant 1840 : index
    %get3A_811 = tpu.vector_load %arg7[%get3A_810] {strides = array<i32>} : memref<2048xi32, #tpu.memory_space<vmem>>, vector<16xi32>,
    %get3A_812 = arith.constant 1840 : index
    %get3A_813 = tpu.vector_load %arg8[%get3A_812] {strides = array<i32>} : memref<2048xf32, #tpu.memory_space<vmem>>, vector<16xf32>,
    %lt3A_814 = arith.constant 8192 : i32
    %lt3A_815 = vector.broadcast %lt3A_814 : i32 to vector<16xi32>
    %lt3A_816 = arith.cmpi slt, %get3A_811, %lt3A_815 : vector<16xi32>
    tpu.vector_store_idx %arg6[%get3A_811], %get3A_813 masked %lt3A_816 : memref<8192xf32, #tpu.memory_space<vmem>>[vector<16xi32>], vector<16xf32>, vector<16xi1>
    %get3A_817 = arith.constant 1856 : index
    %get3A_818 = tpu.vector_load %arg7[%get3A_817] {strides = array<i32>} : memref<2048xi32, #tpu.memory_space<vmem>>, vector<16xi32>,
    %get3A_819 = arith.constant 1856 : index
    %get3A_820 = tpu.vector_load %arg8[%get3A_819] {strides = array<i32>} : memref<2048xf32, #tpu.memory_space<vmem>>, vector<16xf32>,
    %lt3A_821 = arith.constant 8192 : i32
    %lt3A_822 = vector.broadcast %lt3A_821 : i32 to vector<16xi32>
    %lt3A_823 = arith.cmpi slt, %get3A_818, %lt3A_822 : vector<16xi32>
    tpu.vector_store_idx %arg6[%get3A_818], %get3A_820 masked %lt3A_823 : memref<8192xf32, #tpu.memory_space<vmem>>[vector<16xi32>], vector<16xf32>, vector<16xi1>
    %get3A_824 = arith.constant 1872 : index
    %get3A_825 = tpu.vector_load %arg7[%get3A_824] {strides = array<i32>} : memref<2048xi32, #tpu.memory_space<vmem>>, vector<16xi32>,
    %get3A_826 = arith.constant 1872 : index
    %get3A_827 = tpu.vector_load %arg8[%get3A_826] {strides = array<i32>} : memref<2048xf32, #tpu.memory_space<vmem>>, vector<16xf32>,
    %lt3A_828 = arith.constant 8192 : i32
    %lt3A_829 = vector.broadcast %lt3A_828 : i32 to vector<16xi32>
    %lt3A_830 = arith.cmpi slt, %get3A_825, %lt3A_829 : vector<16xi32>
    tpu.vector_store_idx %arg6[%get3A_825], %get3A_827 masked %lt3A_830 : memref<8192xf32, #tpu.memory_space<vmem>>[vector<16xi32>], vector<16xf32>, vector<16xi1>
    %get3A_831 = arith.constant 1888 : index
    %get3A_832 = tpu.vector_load %arg7[%get3A_831] {strides = array<i32>} : memref<2048xi32, #tpu.memory_space<vmem>>, vector<16xi32>,
    %get3A_833 = arith.constant 1888 : index
    %get3A_834 = tpu.vector_load %arg8[%get3A_833] {strides = array<i32>} : memref<2048xf32, #tpu.memory_space<vmem>>, vector<16xf32>,
    %lt3A_835 = arith.constant 8192 : i32
    %lt3A_836 = vector.broadcast %lt3A_835 : i32 to vector<16xi32>
    %lt3A_837 = arith.cmpi slt, %get3A_832, %lt3A_836 : vector<16xi32>
    tpu.vector_store_idx %arg6[%get3A_832], %get3A_834 masked %lt3A_837 : memref<8192xf32, #tpu.memory_space<vmem>>[vector<16xi32>], vector<16xf32>, vector<16xi1>
    %get3A_838 = arith.constant 1904 : index
    %get3A_839 = tpu.vector_load %arg7[%get3A_838] {strides = array<i32>} : memref<2048xi32, #tpu.memory_space<vmem>>, vector<16xi32>,
    %get3A_840 = arith.constant 1904 : index
    %get3A_841 = tpu.vector_load %arg8[%get3A_840] {strides = array<i32>} : memref<2048xf32, #tpu.memory_space<vmem>>, vector<16xf32>,
    %lt3A_842 = arith.constant 8192 : i32
    %lt3A_843 = vector.broadcast %lt3A_842 : i32 to vector<16xi32>
    %lt3A_844 = arith.cmpi slt, %get3A_839, %lt3A_843 : vector<16xi32>
    tpu.vector_store_idx %arg6[%get3A_839], %get3A_841 masked %lt3A_844 : memref<8192xf32, #tpu.memory_space<vmem>>[vector<16xi32>], vector<16xf32>, vector<16xi1>
    %get3A_845 = arith.constant 1920 : index
    %get3A_846 = tpu.vector_load %arg7[%get3A_845] {strides = array<i32>} : memref<2048xi32, #tpu.memory_space<vmem>>, vector<16xi32>,
    %get3A_847 = arith.constant 1920 : index
    %get3A_848 = tpu.vector_load %arg8[%get3A_847] {strides = array<i32>} : memref<2048xf32, #tpu.memory_space<vmem>>, vector<16xf32>,
    %lt3A_849 = arith.constant 8192 : i32
    %lt3A_850 = vector.broadcast %lt3A_849 : i32 to vector<16xi32>
    %lt3A_851 = arith.cmpi slt, %get3A_846, %lt3A_850 : vector<16xi32>
    tpu.vector_store_idx %arg6[%get3A_846], %get3A_848 masked %lt3A_851 : memref<8192xf32, #tpu.memory_space<vmem>>[vector<16xi32>], vector<16xf32>, vector<16xi1>
    %get3A_852 = arith.constant 1936 : index
    %get3A_853 = tpu.vector_load %arg7[%get3A_852] {strides = array<i32>} : memref<2048xi32, #tpu.memory_space<vmem>>, vector<16xi32>,
    %get3A_854 = arith.constant 1936 : index
    %get3A_855 = tpu.vector_load %arg8[%get3A_854] {strides = array<i32>} : memref<2048xf32, #tpu.memory_space<vmem>>, vector<16xf32>,
    %lt3A_856 = arith.constant 8192 : i32
    %lt3A_857 = vector.broadcast %lt3A_856 : i32 to vector<16xi32>
    %lt3A_858 = arith.cmpi slt, %get3A_853, %lt3A_857 : vector<16xi32>
    tpu.vector_store_idx %arg6[%get3A_853], %get3A_855 masked %lt3A_858 : memref<8192xf32, #tpu.memory_space<vmem>>[vector<16xi32>], vector<16xf32>, vector<16xi1>
    %get3A_859 = arith.constant 1952 : index
    %get3A_860 = tpu.vector_load %arg7[%get3A_859] {strides = array<i32>} : memref<2048xi32, #tpu.memory_space<vmem>>, vector<16xi32>,
    %get3A_861 = arith.constant 1952 : index
    %get3A_862 = tpu.vector_load %arg8[%get3A_861] {strides = array<i32>} : memref<2048xf32, #tpu.memory_space<vmem>>, vector<16xf32>,
    %lt3A_863 = arith.constant 8192 : i32
    %lt3A_864 = vector.broadcast %lt3A_863 : i32 to vector<16xi32>
    %lt3A_865 = arith.cmpi slt, %get3A_860, %lt3A_864 : vector<16xi32>
    tpu.vector_store_idx %arg6[%get3A_860], %get3A_862 masked %lt3A_865 : memref<8192xf32, #tpu.memory_space<vmem>>[vector<16xi32>], vector<16xf32>, vector<16xi1>
    %get3A_866 = arith.constant 1968 : index
    %get3A_867 = tpu.vector_load %arg7[%get3A_866] {strides = array<i32>} : memref<2048xi32, #tpu.memory_space<vmem>>, vector<16xi32>,
    %get3A_868 = arith.constant 1968 : index
    %get3A_869 = tpu.vector_load %arg8[%get3A_868] {strides = array<i32>} : memref<2048xf32, #tpu.memory_space<vmem>>, vector<16xf32>,
    %lt3A_870 = arith.constant 8192 : i32
    %lt3A_871 = vector.broadcast %lt3A_870 : i32 to vector<16xi32>
    %lt3A_872 = arith.cmpi slt, %get3A_867, %lt3A_871 : vector<16xi32>
    tpu.vector_store_idx %arg6[%get3A_867], %get3A_869 masked %lt3A_872 : memref<8192xf32, #tpu.memory_space<vmem>>[vector<16xi32>], vector<16xf32>, vector<16xi1>
    %get3A_873 = arith.constant 1984 : index
    %get3A_874 = tpu.vector_load %arg7[%get3A_873] {strides = array<i32>} : memref<2048xi32, #tpu.memory_space<vmem>>, vector<16xi32>,
    %get3A_875 = arith.constant 1984 : index
    %get3A_876 = tpu.vector_load %arg8[%get3A_875] {strides = array<i32>} : memref<2048xf32, #tpu.memory_space<vmem>>, vector<16xf32>,
    %lt3A_877 = arith.constant 8192 : i32
    %lt3A_878 = vector.broadcast %lt3A_877 : i32 to vector<16xi32>
    %lt3A_879 = arith.cmpi slt, %get3A_874, %lt3A_878 : vector<16xi32>
    tpu.vector_store_idx %arg6[%get3A_874], %get3A_876 masked %lt3A_879 : memref<8192xf32, #tpu.memory_space<vmem>>[vector<16xi32>], vector<16xf32>, vector<16xi1>
    %get3A_880 = arith.constant 2000 : index
    %get3A_881 = tpu.vector_load %arg7[%get3A_880] {strides = array<i32>} : memref<2048xi32, #tpu.memory_space<vmem>>, vector<16xi32>,
    %get3A_882 = arith.constant 2000 : index
    %get3A_883 = tpu.vector_load %arg8[%get3A_882] {strides = array<i32>} : memref<2048xf32, #tpu.memory_space<vmem>>, vector<16xf32>,
    %lt3A_884 = arith.constant 8192 : i32
    %lt3A_885 = vector.broadcast %lt3A_884 : i32 to vector<16xi32>
    %lt3A_886 = arith.cmpi slt, %get3A_881, %lt3A_885 : vector<16xi32>
    tpu.vector_store_idx %arg6[%get3A_881], %get3A_883 masked %lt3A_886 : memref<8192xf32, #tpu.memory_space<vmem>>[vector<16xi32>], vector<16xf32>, vector<16xi1>
    %get3A_887 = arith.constant 2016 : index
    %get3A_888 = tpu.vector_load %arg7[%get3A_887] {strides = array<i32>} : memref<2048xi32, #tpu.memory_space<vmem>>, vector<16xi32>,
    %get3A_889 = arith.constant 2016 : index
    %get3A_890 = tpu.vector_load %arg8[%get3A_889] {strides = array<i32>} : memref<2048xf32, #tpu.memory_space<vmem>>, vector<16xf32>,
    %lt3A_891 = arith.constant 8192 : i32
    %lt3A_892 = vector.broadcast %lt3A_891 : i32 to vector<16xi32>
    %lt3A_893 = arith.cmpi slt, %get3A_888, %lt3A_892 : vector<16xi32>
    tpu.vector_store_idx %arg6[%get3A_888], %get3A_890 masked %lt3A_893 : memref<8192xf32, #tpu.memory_space<vmem>>[vector<16xi32>], vector<16xf32>, vector<16xi1>
    %get3A_894 = arith.constant 2032 : index
    %get3A_895 = tpu.vector_load %arg7[%get3A_894] {strides = array<i32>} : memref<2048xi32, #tpu.memory_space<vmem>>, vector<16xi32>,
    %get3A_896 = arith.constant 2032 : index
    %get3A_897 = tpu.vector_load %arg8[%get3A_896] {strides = array<i32>} : memref<2048xf32, #tpu.memory_space<vmem>>, vector<16xf32>,
    %lt3A_898 = arith.constant 8192 : i32
    %lt3A_899 = vector.broadcast %lt3A_898 : i32 to vector<16xi32>
    %lt3A_900 = arith.cmpi slt, %get3A_895, %lt3A_899 : vector<16xi32>
    tpu.vector_store_idx %arg6[%get3A_895], %get3A_897 masked %lt3A_900 : memref<8192xf32, #tpu.memory_space<vmem>>[vector<16xi32>], vector<16xf32>, vector<16xi1>
    %mul3A_901 = arith.constant 8192 : i32
    %mul3A_902 = arith.muli %add3A, %mul3A_901 : i32
    "tpu.region"() ({
      %run_scoped3A = tpu.sem_alloc : memref<!tpu.dma_semaphore, #tpu.memory_space<semaphore_mem>>
      %dma_start3A = tpu.memref_slice %arg5[%mul3A_902] : memref<262144xf32, #tpu.memory_space<hbm>> -> memref<8192xf32, #tpu.memory_space<hbm>>
      %dma_start3A_903 = tpu.memref_slice %arg5[%mul3A_902] : memref<262144xf32, #tpu.memory_space<hbm>> -> memref<8192xf32, #tpu.memory_space<hbm>>
      tpu.enqueue_dma source(%arg6 : memref<8192xf32, #tpu.memory_space<vmem>>) target(%dma_start3A_903 : memref<8192xf32, #tpu.memory_space<hbm>>) target_semaphore(%run_scoped3A : memref<!tpu.dma_semaphore, #tpu.memory_space<semaphore_mem>>)
      %dma_wait3A = tpu.memref_slice %arg5[%mul3A_902] : memref<262144xf32, #tpu.memory_space<hbm>> -> memref<8192xf32, #tpu.memory_space<hbm>>
      %dma_wait3A_904 = tpu.memref_slice %arg5[%mul3A_902] : memref<262144xf32, #tpu.memory_space<hbm>> -> memref<8192xf32, #tpu.memory_space<hbm>>
      tpu.wait_dma2 semaphore(%run_scoped3A : memref<!tpu.dma_semaphore, #tpu.memory_space<semaphore_mem>>) src(%arg6 : memref<8192xf32, #tpu.memory_space<vmem>>) dst(%dma_wait3A_904 : memref<8192xf32, #tpu.memory_space<hbm>>)
      tpu.yield
    }) : () -> ()
    return
  }
}

module attributes {stable_mosaic.version = 14 : i64} {
  func.func @_graph_kernel(%arg0: i32, %arg1: memref<64x128xf32, #tpu.memory_space<vmem>>, %arg2: memref<1024x16xf32, #tpu.memory_space<vmem>>, %arg3: memref<1x1024x1xi32, #tpu.memory_space<vmem>>, %arg4: memref<1x1024x1xi32, #tpu.memory_space<vmem>>, %arg5: memref<1x1x1024xi32, #tpu.memory_space<vmem>>, %arg6: memref<1x1024x1xi32, #tpu.memory_space<vmem>>, %arg7: memref<1x1x1024xi32, #tpu.memory_space<vmem>>, %arg8: memref<128x128xf32, #tpu.memory_space<vmem>>, %arg9: memref<1x128xf32, #tpu.memory_space<vmem>>, %arg10: memref<16x128xf32, #tpu.memory_space<vmem>>, %arg11: memref<1x128xf32, #tpu.memory_space<vmem>>, %arg12: memref<12x128x128xf32, #tpu.memory_space<vmem>>, %arg13: memref<12x1x128xf32, #tpu.memory_space<vmem>>, %arg14: memref<8x128xf32, #tpu.memory_space<vmem>>, %arg15: memref<128x128xf32, #tpu.memory_space<vmem>>, %arg16: memref<1x128xf32, #tpu.memory_space<vmem>>, %arg17: memref<128x1xf32, #tpu.memory_space<vmem>>, %arg18: memref<1x1xf32, #tpu.memory_space<vmem>>, %arg19: memref<4096x1xf32, #tpu.memory_space<vmem>>, %arg20: memref<1024x1xf32, #tpu.memory_space<vmem>>, %arg21: memref<1024x1xi32, #tpu.memory_space<vmem>>) attributes {dimension_semantics = [#tpu.dimension_semantics<arbitrary>], iteration_bounds = array<i64: 64>, scalar_prefetch = 0 : i64, scratch_operands = 0 : i64, tpu.core_type = #tpu.core_type<tc>, window_params = [{transform_indices = @transform_0, window_bounds = array<i64: 64, 128>}, {transform_indices = @transform_1, window_bounds = array<i64: 1024, 16>}, {transform_indices = @transform_2, window_bounds = array<i64: 1, 1024, 1>}, {transform_indices = @transform_3, window_bounds = array<i64: 1, 1024, 1>}, {transform_indices = @transform_4, window_bounds = array<i64: 1, 1, 1024>}, {transform_indices = @transform_5, window_bounds = array<i64: 1, 1024, 1>}, {transform_indices = @transform_6, window_bounds = array<i64: 1, 1, 1024>}, {pipeline_mode = #tpu.pipeline_mode<synchronous>, transform_indices = @transform_7, window_bounds = array<i64: 128, 128>}, {pipeline_mode = #tpu.pipeline_mode<synchronous>, transform_indices = @transform_8, window_bounds = array<i64: 1, 128>}, {pipeline_mode = #tpu.pipeline_mode<synchronous>, transform_indices = @transform_9, window_bounds = array<i64: 16, 128>}, {pipeline_mode = #tpu.pipeline_mode<synchronous>, transform_indices = @transform_10, window_bounds = array<i64: 1, 128>}, {pipeline_mode = #tpu.pipeline_mode<synchronous>, transform_indices = @transform_11, window_bounds = array<i64: 12, 128, 128>}, {pipeline_mode = #tpu.pipeline_mode<synchronous>, transform_indices = @transform_12, window_bounds = array<i64: 12, 1, 128>}, {pipeline_mode = #tpu.pipeline_mode<synchronous>, transform_indices = @transform_13, window_bounds = array<i64: 8, 128>}, {pipeline_mode = #tpu.pipeline_mode<synchronous>, transform_indices = @transform_14, window_bounds = array<i64: 128, 128>}, {pipeline_mode = #tpu.pipeline_mode<synchronous>, transform_indices = @transform_15, window_bounds = array<i64: 1, 128>}, {pipeline_mode = #tpu.pipeline_mode<synchronous>, transform_indices = @transform_16, window_bounds = array<i64: 128, 1>}, {pipeline_mode = #tpu.pipeline_mode<synchronous>, transform_indices = @transform_17, window_bounds = array<i64: 1, 1>}, {transform_indices = @transform_18, window_bounds = array<i64: 4096, 1>}, {transform_indices = @transform_19, window_bounds = array<i64: 1024, 1>}, {transform_indices = @transform_20, window_bounds = array<i64: 1024, 1>}]} {
    %get3A = arith.constant 0 : index
    %get3A_0 = arith.constant 0 : index
    %get3A_1 = vector.load %arg1[%get3A, %get3A_0] : memref<64x128xf32, #tpu.memory_space<vmem>>, vector<64x128xf32>
    %get3A_2 = arith.constant 0 : index
    %get3A_3 = arith.constant 0 : index
    %get3A_4 = vector.load %arg8[%get3A_2, %get3A_3] : memref<128x128xf32, #tpu.memory_space<vmem>>, vector<128x128xf32>
    %convert_element_type3A = arith.truncf %get3A_1 : vector<64x128xf32> to vector<64x128xbf16>
    %convert_element_type3A_5 = arith.truncf %get3A_4 : vector<128x128xf32> to vector<128x128xbf16>
    %dot_general3A = arith.constant dense<0.000000e+00> : vector<64x128xf32>
    %dot_general3A_6 = tpu.matmul %convert_element_type3A, %convert_element_type3A_5, %dot_general3A {dimension_numbers = #tpu.dot_dimension_numbers<[1], [0], [0], [1], [0, 0, 1, 1], [], []>, transpose_lhs_hint = false} : vector<64x128xbf16>, vector<128x128xbf16>, vector<64x128xf32> -> vector<64x128xf32>
    %get3A_7 = arith.constant 0 : index
    %get3A_8 = arith.constant 0 : index
    %get3A_9 = vector.load %arg9[%get3A_7, %get3A_8] : memref<1x128xf32, #tpu.memory_space<vmem>>, vector<1x128xf32>
    %add3A = vector.broadcast %get3A_9 : vector<1x128xf32> to vector<64x128xf32>
    %add3A_10 = arith.addf %dot_general3A_6, %add3A : vector<64x128xf32>
    %get3A_11 = arith.constant 0 : index
    %get3A_12 = arith.constant 0 : index
    %get3A_13 = vector.load %arg2[%get3A_11, %get3A_12] : memref<1024x16xf32, #tpu.memory_space<vmem>>, vector<1024x16xf32>
    %get3A_14 = arith.constant 0 : index
    %get3A_15 = arith.constant 0 : index
    %get3A_16 = vector.load %arg10[%get3A_14, %get3A_15] : memref<16x128xf32, #tpu.memory_space<vmem>>, vector<16x128xf32>
    %convert_element_type3A_17 = arith.truncf %get3A_13 : vector<1024x16xf32> to vector<1024x16xbf16>
    %convert_element_type3A_18 = arith.truncf %get3A_16 : vector<16x128xf32> to vector<16x128xbf16>
    %dot_general3A_19 = arith.constant dense<0.000000e+00> : vector<1024x128xf32>
    %dot_general3A_20 = tpu.matmul %convert_element_type3A_17, %convert_element_type3A_18, %dot_general3A_19 {dimension_numbers = #tpu.dot_dimension_numbers<[1], [0], [0], [1], [0, 0, 1, 1], [], []>, transpose_lhs_hint = false} : vector<1024x16xbf16>, vector<16x128xbf16>, vector<1024x128xf32> -> vector<1024x128xf32>
    %get3A_21 = arith.constant 0 : index
    %get3A_22 = arith.constant 0 : index
    %get3A_23 = vector.load %arg11[%get3A_21, %get3A_22] : memref<1x128xf32, #tpu.memory_space<vmem>>, vector<1x128xf32>
    %add3A_24 = vector.broadcast %get3A_23 : vector<1x128xf32> to vector<1024x128xf32>
    %add3A_25 = arith.addf %dot_general3A_20, %add3A_24 : vector<1024x128xf32>
    %get3A_26 = arith.constant 0 : index
    %get3A_27 = arith.constant 0 : index
    %get3A_28 = arith.constant 0 : index
    %get3A_29 = vector.load %arg3[%get3A_26, %get3A_27, %get3A_28] : memref<1x1024x1xi32, #tpu.memory_space<vmem>>, vector<1x1024x1xi32>
    %get3A_30 = vector.shape_cast %get3A_29 : vector<1x1024x1xi32> to vector<1024x1xi32>
    %get3A_31 = arith.constant 0 : index
    %get3A_32 = arith.constant 0 : index
    %get3A_33 = arith.constant 0 : index
    %get3A_34 = vector.load %arg4[%get3A_31, %get3A_32, %get3A_33] : memref<1x1024x1xi32, #tpu.memory_space<vmem>>, vector<1x1024x1xi32>
    %get3A_35 = vector.shape_cast %get3A_34 : vector<1x1024x1xi32> to vector<1024x1xi32>
    %get3A_36 = arith.constant 0 : index
    %get3A_37 = arith.constant 0 : index
    %get3A_38 = arith.constant 0 : index
    %get3A_39 = vector.load %arg5[%get3A_36, %get3A_37, %get3A_38] : memref<1x1x1024xi32, #tpu.memory_space<vmem>>, vector<1x1x1024xi32>
    %get3A_40 = vector.shape_cast %get3A_39 : vector<1x1x1024xi32> to vector<1x1024xi32>
    %iota3A = tpu.iota {dimensions = array<i32: 1>} : vector<1024x64xi32>
    %eq3A = vector.broadcast %get3A_30 : vector<1024x1xi32> to vector<1024x64xi32>
    %eq3A_41 = arith.cmpi eq, %eq3A, %iota3A : vector<1024x64xi32>
    %jit3A = arith.constant 1.000000e+00 : f32
    %jit3A_42 = arith.constant 0.000000e+00 : f32
    %broadcast_in_dim3A = vector.broadcast %jit3A : f32 to vector<1024x64xf32>
    %broadcast_in_dim3A_43 = vector.broadcast %jit3A_42 : f32 to vector<1024x64xf32>
    %select_n3A = arith.select %eq3A_41, %broadcast_in_dim3A, %broadcast_in_dim3A_43 : vector<1024x64xi1>, vector<1024x64xf32>
    %eq3A_44 = vector.broadcast %get3A_35 : vector<1024x1xi32> to vector<1024x64xi32>
    %eq3A_45 = arith.cmpi eq, %eq3A_44, %iota3A : vector<1024x64xi32>
    %jit3A_46 = arith.constant 1.000000e+00 : f32
    %jit3A_47 = arith.constant 0.000000e+00 : f32
    %broadcast_in_dim3A_48 = vector.broadcast %jit3A_46 : f32 to vector<1024x64xf32>
    %broadcast_in_dim3A_49 = vector.broadcast %jit3A_47 : f32 to vector<1024x64xf32>
    %select_n3A_50 = arith.select %eq3A_45, %broadcast_in_dim3A_48, %broadcast_in_dim3A_49 : vector<1024x64xi1>, vector<1024x64xf32>
    %iota3A_51 = tpu.iota {dimensions = array<i32: 0>} : vector<64x1024xi32>
    %eq3A_52 = vector.broadcast %get3A_40 : vector<1x1024xi32> to vector<64x1024xi32>
    %eq3A_53 = arith.cmpi eq, %iota3A_51, %eq3A_52 : vector<64x1024xi32>
    %jit3A_54 = arith.constant 1.000000e+00 : f32
    %jit3A_55 = arith.constant 0.000000e+00 : f32
    %broadcast_in_dim3A_56 = vector.broadcast %jit3A_54 : f32 to vector<64x1024xf32>
    %broadcast_in_dim3A_57 = vector.broadcast %jit3A_55 : f32 to vector<64x1024xf32>
    %select_n3A_58 = arith.select %eq3A_53, %broadcast_in_dim3A_56, %broadcast_in_dim3A_57 : vector<64x1024xi1>, vector<64x1024xf32>
    %get3A_59 = arith.constant 0 : index
    %get3A_60 = arith.constant 0 : index
    %get3A_61 = arith.constant 0 : index
    %get3A_62 = vector.load %arg12[%get3A_59, %get3A_60, %get3A_61] : memref<12x128x128xf32, #tpu.memory_space<vmem>>, vector<1x128x128xf32>
    %get3A_63 = vector.shape_cast %get3A_62 : vector<1x128x128xf32> to vector<128x128xf32>
    %convert_element_type3A_64 = arith.truncf %add3A_25 : vector<1024x128xf32> to vector<1024x128xbf16>
    %convert_element_type3A_65 = arith.truncf %get3A_63 : vector<128x128xf32> to vector<128x128xbf16>
    %dot_general3A_66 = arith.constant dense<0.000000e+00> : vector<1024x128xf32>
    %dot_general3A_67 = tpu.matmul %convert_element_type3A_64, %convert_element_type3A_65, %dot_general3A_66 {dimension_numbers = #tpu.dot_dimension_numbers<[1], [0], [0], [1], [0, 0, 1, 1], [], []>, transpose_lhs_hint = false} : vector<1024x128xbf16>, vector<128x128xbf16>, vector<1024x128xf32> -> vector<1024x128xf32>
    %get3A_68 = arith.constant 0 : index
    %get3A_69 = arith.constant 0 : index
    %get3A_70 = arith.constant 0 : index
    %get3A_71 = vector.load %arg13[%get3A_68, %get3A_69, %get3A_70] : memref<12x1x128xf32, #tpu.memory_space<vmem>>, vector<1x1x128xf32>
    %get3A_72 = vector.shape_cast %get3A_71 : vector<1x1x128xf32> to vector<1x128xf32>
    %add3A_73 = vector.broadcast %get3A_72 : vector<1x128xf32> to vector<1024x128xf32>
    %add3A_74 = arith.addf %dot_general3A_67, %add3A_73 : vector<1024x128xf32>
    %max3A = arith.constant 0.000000e+00 : f32
    %max3A_75 = vector.broadcast %max3A : f32 to vector<1024x128xf32>
    %max3A_76 = arith.maximumf %add3A_74, %max3A_75 : vector<1024x128xf32>
    %get3A_77 = arith.constant 1 : index
    %get3A_78 = arith.constant 0 : index
    %get3A_79 = arith.constant 0 : index
    %get3A_80 = vector.load %arg12[%get3A_77, %get3A_78, %get3A_79] : memref<12x128x128xf32, #tpu.memory_space<vmem>>, vector<1x128x128xf32>
    %get3A_81 = vector.shape_cast %get3A_80 : vector<1x128x128xf32> to vector<128x128xf32>
    %convert_element_type3A_82 = arith.truncf %max3A_76 : vector<1024x128xf32> to vector<1024x128xbf16>
    %convert_element_type3A_83 = arith.truncf %get3A_81 : vector<128x128xf32> to vector<128x128xbf16>
    %dot_general3A_84 = arith.constant dense<0.000000e+00> : vector<1024x128xf32>
    %dot_general3A_85 = tpu.matmul %convert_element_type3A_82, %convert_element_type3A_83, %dot_general3A_84 {dimension_numbers = #tpu.dot_dimension_numbers<[1], [0], [0], [1], [0, 0, 1, 1], [], []>, transpose_lhs_hint = false} : vector<1024x128xbf16>, vector<128x128xbf16>, vector<1024x128xf32> -> vector<1024x128xf32>
    %get3A_86 = arith.constant 1 : index
    %get3A_87 = arith.constant 0 : index
    %get3A_88 = arith.constant 0 : index
    %get3A_89 = vector.load %arg13[%get3A_86, %get3A_87, %get3A_88] : memref<12x1x128xf32, #tpu.memory_space<vmem>>, vector<1x1x128xf32>
    %get3A_90 = vector.shape_cast %get3A_89 : vector<1x1x128xf32> to vector<1x128xf32>
    %add3A_91 = vector.broadcast %get3A_90 : vector<1x128xf32> to vector<1024x128xf32>
    %add3A_92 = arith.addf %dot_general3A_85, %add3A_91 : vector<1024x128xf32>
    %dot_general3A_93 = arith.constant dense<0.000000e+00> : vector<1024x128xf32>
    %dot_general3A_94 = tpu.matmul %select_n3A, %add3A_10, %dot_general3A_93 {dimension_numbers = #tpu.dot_dimension_numbers<[1], [0], [0], [1], [0, 0, 1, 1], [], []>, precision = #tpu.contract_precision<fp32>, transpose_lhs_hint = false} : vector<1024x64xf32>, vector<64x128xf32>, vector<1024x128xf32> -> vector<1024x128xf32>
    %add3A_95 = arith.addf %dot_general3A_94, %add3A_92 : vector<1024x128xf32>
    %max3A_96 = arith.constant 0.000000e+00 : f32
    %max3A_97 = vector.broadcast %max3A_96 : f32 to vector<1024x128xf32>
    %max3A_98 = arith.maximumf %add3A_95, %max3A_97 : vector<1024x128xf32>
    %dot_general3A_99 = arith.constant dense<0.000000e+00> : vector<64x128xf32>
    %dot_general3A_100 = tpu.matmul %select_n3A_58, %max3A_98, %dot_general3A_99 {dimension_numbers = #tpu.dot_dimension_numbers<[1], [0], [0], [1], [0, 0, 1, 1], [], []>, precision = #tpu.contract_precision<fp32>, transpose_lhs_hint = false} : vector<64x1024xf32>, vector<1024x128xf32>, vector<64x128xf32> -> vector<64x128xf32>
    %add3A_101 = arith.addf %add3A_10, %dot_general3A_100 : vector<64x128xf32>
    %get3A_102 = arith.constant 2 : index
    %get3A_103 = arith.constant 0 : index
    %get3A_104 = arith.constant 0 : index
    %get3A_105 = vector.load %arg12[%get3A_102, %get3A_103, %get3A_104] : memref<12x128x128xf32, #tpu.memory_space<vmem>>, vector<1x128x128xf32>
    %get3A_106 = vector.shape_cast %get3A_105 : vector<1x128x128xf32> to vector<128x128xf32>
    %convert_element_type3A_107 = arith.truncf %add3A_101 : vector<64x128xf32> to vector<64x128xbf16>
    %convert_element_type3A_108 = arith.truncf %get3A_106 : vector<128x128xf32> to vector<128x128xbf16>
    %dot_general3A_109 = arith.constant dense<0.000000e+00> : vector<64x128xf32>
    %dot_general3A_110 = tpu.matmul %convert_element_type3A_107, %convert_element_type3A_108, %dot_general3A_109 {dimension_numbers = #tpu.dot_dimension_numbers<[1], [0], [0], [1], [0, 0, 1, 1], [], []>, transpose_lhs_hint = false} : vector<64x128xbf16>, vector<128x128xbf16>, vector<64x128xf32> -> vector<64x128xf32>
    %get3A_111 = arith.constant 2 : index
    %get3A_112 = arith.constant 0 : index
    %get3A_113 = arith.constant 0 : index
    %get3A_114 = vector.load %arg13[%get3A_111, %get3A_112, %get3A_113] : memref<12x1x128xf32, #tpu.memory_space<vmem>>, vector<1x1x128xf32>
    %get3A_115 = vector.shape_cast %get3A_114 : vector<1x1x128xf32> to vector<1x128xf32>
    %add3A_116 = vector.broadcast %get3A_115 : vector<1x128xf32> to vector<64x128xf32>
    %add3A_117 = arith.addf %dot_general3A_110, %add3A_116 : vector<64x128xf32>
    %max3A_118 = arith.constant 0.000000e+00 : f32
    %max3A_119 = vector.broadcast %max3A_118 : f32 to vector<64x128xf32>
    %max3A_120 = arith.maximumf %add3A_117, %max3A_119 : vector<64x128xf32>
    %get3A_121 = arith.constant 3 : index
    %get3A_122 = arith.constant 0 : index
    %get3A_123 = arith.constant 0 : index
    %get3A_124 = vector.load %arg12[%get3A_121, %get3A_122, %get3A_123] : memref<12x128x128xf32, #tpu.memory_space<vmem>>, vector<1x128x128xf32>
    %get3A_125 = vector.shape_cast %get3A_124 : vector<1x128x128xf32> to vector<128x128xf32>
    %convert_element_type3A_126 = arith.truncf %max3A_120 : vector<64x128xf32> to vector<64x128xbf16>
    %convert_element_type3A_127 = arith.truncf %get3A_125 : vector<128x128xf32> to vector<128x128xbf16>
    %dot_general3A_128 = arith.constant dense<0.000000e+00> : vector<64x128xf32>
    %dot_general3A_129 = tpu.matmul %convert_element_type3A_126, %convert_element_type3A_127, %dot_general3A_128 {dimension_numbers = #tpu.dot_dimension_numbers<[1], [0], [0], [1], [0, 0, 1, 1], [], []>, transpose_lhs_hint = false} : vector<64x128xbf16>, vector<128x128xbf16>, vector<64x128xf32> -> vector<64x128xf32>
    %get3A_130 = arith.constant 3 : index
    %get3A_131 = arith.constant 0 : index
    %get3A_132 = arith.constant 0 : index
    %get3A_133 = vector.load %arg13[%get3A_130, %get3A_131, %get3A_132] : memref<12x1x128xf32, #tpu.memory_space<vmem>>, vector<1x1x128xf32>
    %get3A_134 = vector.shape_cast %get3A_133 : vector<1x1x128xf32> to vector<1x128xf32>
    %add3A_135 = vector.broadcast %get3A_134 : vector<1x128xf32> to vector<64x128xf32>
    %add3A_136 = arith.addf %dot_general3A_129, %add3A_135 : vector<64x128xf32>
    %max3A_137 = arith.constant 0.000000e+00 : f32
    %max3A_138 = vector.broadcast %max3A_137 : f32 to vector<64x128xf32>
    %max3A_139 = arith.maximumf %add3A_136, %max3A_138 : vector<64x128xf32>
    %get3A_140 = arith.constant 4 : index
    %get3A_141 = arith.constant 0 : index
    %get3A_142 = arith.constant 0 : index
    %get3A_143 = vector.load %arg12[%get3A_140, %get3A_141, %get3A_142] : memref<12x128x128xf32, #tpu.memory_space<vmem>>, vector<1x128x128xf32>
    %get3A_144 = vector.shape_cast %get3A_143 : vector<1x128x128xf32> to vector<128x128xf32>
    %convert_element_type3A_145 = arith.truncf %add3A_25 : vector<1024x128xf32> to vector<1024x128xbf16>
    %convert_element_type3A_146 = arith.truncf %get3A_144 : vector<128x128xf32> to vector<128x128xbf16>
    %dot_general3A_147 = arith.constant dense<0.000000e+00> : vector<1024x128xf32>
    %dot_general3A_148 = tpu.matmul %convert_element_type3A_145, %convert_element_type3A_146, %dot_general3A_147 {dimension_numbers = #tpu.dot_dimension_numbers<[1], [0], [0], [1], [0, 0, 1, 1], [], []>, transpose_lhs_hint = false} : vector<1024x128xbf16>, vector<128x128xbf16>, vector<1024x128xf32> -> vector<1024x128xf32>
    %get3A_149 = arith.constant 4 : index
    %get3A_150 = arith.constant 0 : index
    %get3A_151 = arith.constant 0 : index
    %get3A_152 = vector.load %arg13[%get3A_149, %get3A_150, %get3A_151] : memref<12x1x128xf32, #tpu.memory_space<vmem>>, vector<1x1x128xf32>
    %get3A_153 = vector.shape_cast %get3A_152 : vector<1x1x128xf32> to vector<1x128xf32>
    %add3A_154 = vector.broadcast %get3A_153 : vector<1x128xf32> to vector<1024x128xf32>
    %add3A_155 = arith.addf %dot_general3A_148, %add3A_154 : vector<1024x128xf32>
    %max3A_156 = arith.constant 0.000000e+00 : f32
    %max3A_157 = vector.broadcast %max3A_156 : f32 to vector<1024x128xf32>
    %max3A_158 = arith.maximumf %add3A_155, %max3A_157 : vector<1024x128xf32>
    %get3A_159 = arith.constant 5 : index
    %get3A_160 = arith.constant 0 : index
    %get3A_161 = arith.constant 0 : index
    %get3A_162 = vector.load %arg12[%get3A_159, %get3A_160, %get3A_161] : memref<12x128x128xf32, #tpu.memory_space<vmem>>, vector<1x128x128xf32>
    %get3A_163 = vector.shape_cast %get3A_162 : vector<1x128x128xf32> to vector<128x128xf32>
    %convert_element_type3A_164 = arith.truncf %max3A_158 : vector<1024x128xf32> to vector<1024x128xbf16>
    %convert_element_type3A_165 = arith.truncf %get3A_163 : vector<128x128xf32> to vector<128x128xbf16>
    %dot_general3A_166 = arith.constant dense<0.000000e+00> : vector<1024x128xf32>
    %dot_general3A_167 = tpu.matmul %convert_element_type3A_164, %convert_element_type3A_165, %dot_general3A_166 {dimension_numbers = #tpu.dot_dimension_numbers<[1], [0], [0], [1], [0, 0, 1, 1], [], []>, transpose_lhs_hint = false} : vector<1024x128xbf16>, vector<128x128xbf16>, vector<1024x128xf32> -> vector<1024x128xf32>
    %get3A_168 = arith.constant 5 : index
    %get3A_169 = arith.constant 0 : index
    %get3A_170 = arith.constant 0 : index
    %get3A_171 = vector.load %arg13[%get3A_168, %get3A_169, %get3A_170] : memref<12x1x128xf32, #tpu.memory_space<vmem>>, vector<1x1x128xf32>
    %get3A_172 = vector.shape_cast %get3A_171 : vector<1x1x128xf32> to vector<1x128xf32>
    %add3A_173 = vector.broadcast %get3A_172 : vector<1x128xf32> to vector<1024x128xf32>
    %add3A_174 = arith.addf %dot_general3A_167, %add3A_173 : vector<1024x128xf32>
    %dot_general3A_175 = arith.constant dense<0.000000e+00> : vector<1024x128xf32>
    %dot_general3A_176 = tpu.matmul %select_n3A, %max3A_139, %dot_general3A_175 {dimension_numbers = #tpu.dot_dimension_numbers<[1], [0], [0], [1], [0, 0, 1, 1], [], []>, precision = #tpu.contract_precision<fp32>, transpose_lhs_hint = false} : vector<1024x64xf32>, vector<64x128xf32>, vector<1024x128xf32> -> vector<1024x128xf32>
    %add3A_177 = arith.addf %dot_general3A_176, %add3A_174 : vector<1024x128xf32>
    %max3A_178 = arith.constant 0.000000e+00 : f32
    %max3A_179 = vector.broadcast %max3A_178 : f32 to vector<1024x128xf32>
    %max3A_180 = arith.maximumf %add3A_177, %max3A_179 : vector<1024x128xf32>
    %dot_general3A_181 = arith.constant dense<0.000000e+00> : vector<64x128xf32>
    %dot_general3A_182 = tpu.matmul %select_n3A_58, %max3A_180, %dot_general3A_181 {dimension_numbers = #tpu.dot_dimension_numbers<[1], [0], [0], [1], [0, 0, 1, 1], [], []>, precision = #tpu.contract_precision<fp32>, transpose_lhs_hint = false} : vector<64x1024xf32>, vector<1024x128xf32>, vector<64x128xf32> -> vector<64x128xf32>
    %add3A_183 = arith.addf %max3A_139, %dot_general3A_182 : vector<64x128xf32>
    %get3A_184 = arith.constant 6 : index
    %get3A_185 = arith.constant 0 : index
    %get3A_186 = arith.constant 0 : index
    %get3A_187 = vector.load %arg12[%get3A_184, %get3A_185, %get3A_186] : memref<12x128x128xf32, #tpu.memory_space<vmem>>, vector<1x128x128xf32>
    %get3A_188 = vector.shape_cast %get3A_187 : vector<1x128x128xf32> to vector<128x128xf32>
    %convert_element_type3A_189 = arith.truncf %add3A_183 : vector<64x128xf32> to vector<64x128xbf16>
    %convert_element_type3A_190 = arith.truncf %get3A_188 : vector<128x128xf32> to vector<128x128xbf16>
    %dot_general3A_191 = arith.constant dense<0.000000e+00> : vector<64x128xf32>
    %dot_general3A_192 = tpu.matmul %convert_element_type3A_189, %convert_element_type3A_190, %dot_general3A_191 {dimension_numbers = #tpu.dot_dimension_numbers<[1], [0], [0], [1], [0, 0, 1, 1], [], []>, transpose_lhs_hint = false} : vector<64x128xbf16>, vector<128x128xbf16>, vector<64x128xf32> -> vector<64x128xf32>
    %get3A_193 = arith.constant 6 : index
    %get3A_194 = arith.constant 0 : index
    %get3A_195 = arith.constant 0 : index
    %get3A_196 = vector.load %arg13[%get3A_193, %get3A_194, %get3A_195] : memref<12x1x128xf32, #tpu.memory_space<vmem>>, vector<1x1x128xf32>
    %get3A_197 = vector.shape_cast %get3A_196 : vector<1x1x128xf32> to vector<1x128xf32>
    %add3A_198 = vector.broadcast %get3A_197 : vector<1x128xf32> to vector<64x128xf32>
    %add3A_199 = arith.addf %dot_general3A_192, %add3A_198 : vector<64x128xf32>
    %max3A_200 = arith.constant 0.000000e+00 : f32
    %max3A_201 = vector.broadcast %max3A_200 : f32 to vector<64x128xf32>
    %max3A_202 = arith.maximumf %add3A_199, %max3A_201 : vector<64x128xf32>
    %get3A_203 = arith.constant 7 : index
    %get3A_204 = arith.constant 0 : index
    %get3A_205 = arith.constant 0 : index
    %get3A_206 = vector.load %arg12[%get3A_203, %get3A_204, %get3A_205] : memref<12x128x128xf32, #tpu.memory_space<vmem>>, vector<1x128x128xf32>
    %get3A_207 = vector.shape_cast %get3A_206 : vector<1x128x128xf32> to vector<128x128xf32>
    %convert_element_type3A_208 = arith.truncf %max3A_202 : vector<64x128xf32> to vector<64x128xbf16>
    %convert_element_type3A_209 = arith.truncf %get3A_207 : vector<128x128xf32> to vector<128x128xbf16>
    %dot_general3A_210 = arith.constant dense<0.000000e+00> : vector<64x128xf32>
    %dot_general3A_211 = tpu.matmul %convert_element_type3A_208, %convert_element_type3A_209, %dot_general3A_210 {dimension_numbers = #tpu.dot_dimension_numbers<[1], [0], [0], [1], [0, 0, 1, 1], [], []>, transpose_lhs_hint = false} : vector<64x128xbf16>, vector<128x128xbf16>, vector<64x128xf32> -> vector<64x128xf32>
    %get3A_212 = arith.constant 7 : index
    %get3A_213 = arith.constant 0 : index
    %get3A_214 = arith.constant 0 : index
    %get3A_215 = vector.load %arg13[%get3A_212, %get3A_213, %get3A_214] : memref<12x1x128xf32, #tpu.memory_space<vmem>>, vector<1x1x128xf32>
    %get3A_216 = vector.shape_cast %get3A_215 : vector<1x1x128xf32> to vector<1x128xf32>
    %add3A_217 = vector.broadcast %get3A_216 : vector<1x128xf32> to vector<64x128xf32>
    %add3A_218 = arith.addf %dot_general3A_211, %add3A_217 : vector<64x128xf32>
    %max3A_219 = arith.constant 0.000000e+00 : f32
    %max3A_220 = vector.broadcast %max3A_219 : f32 to vector<64x128xf32>
    %max3A_221 = arith.maximumf %add3A_218, %max3A_220 : vector<64x128xf32>
    %get3A_222 = arith.constant 8 : index
    %get3A_223 = arith.constant 0 : index
    %get3A_224 = arith.constant 0 : index
    %get3A_225 = vector.load %arg12[%get3A_222, %get3A_223, %get3A_224] : memref<12x128x128xf32, #tpu.memory_space<vmem>>, vector<1x128x128xf32>
    %get3A_226 = vector.shape_cast %get3A_225 : vector<1x128x128xf32> to vector<128x128xf32>
    %convert_element_type3A_227 = arith.truncf %add3A_25 : vector<1024x128xf32> to vector<1024x128xbf16>
    %convert_element_type3A_228 = arith.truncf %get3A_226 : vector<128x128xf32> to vector<128x128xbf16>
    %dot_general3A_229 = arith.constant dense<0.000000e+00> : vector<1024x128xf32>
    %dot_general3A_230 = tpu.matmul %convert_element_type3A_227, %convert_element_type3A_228, %dot_general3A_229 {dimension_numbers = #tpu.dot_dimension_numbers<[1], [0], [0], [1], [0, 0, 1, 1], [], []>, transpose_lhs_hint = false} : vector<1024x128xbf16>, vector<128x128xbf16>, vector<1024x128xf32> -> vector<1024x128xf32>
    %get3A_231 = arith.constant 8 : index
    %get3A_232 = arith.constant 0 : index
    %get3A_233 = arith.constant 0 : index
    %get3A_234 = vector.load %arg13[%get3A_231, %get3A_232, %get3A_233] : memref<12x1x128xf32, #tpu.memory_space<vmem>>, vector<1x1x128xf32>
    %get3A_235 = vector.shape_cast %get3A_234 : vector<1x1x128xf32> to vector<1x128xf32>
    %add3A_236 = vector.broadcast %get3A_235 : vector<1x128xf32> to vector<1024x128xf32>
    %add3A_237 = arith.addf %dot_general3A_230, %add3A_236 : vector<1024x128xf32>
    %max3A_238 = arith.constant 0.000000e+00 : f32
    %max3A_239 = vector.broadcast %max3A_238 : f32 to vector<1024x128xf32>
    %max3A_240 = arith.maximumf %add3A_237, %max3A_239 : vector<1024x128xf32>
    %get3A_241 = arith.constant 9 : index
    %get3A_242 = arith.constant 0 : index
    %get3A_243 = arith.constant 0 : index
    %get3A_244 = vector.load %arg12[%get3A_241, %get3A_242, %get3A_243] : memref<12x128x128xf32, #tpu.memory_space<vmem>>, vector<1x128x128xf32>
    %get3A_245 = vector.shape_cast %get3A_244 : vector<1x128x128xf32> to vector<128x128xf32>
    %convert_element_type3A_246 = arith.truncf %max3A_240 : vector<1024x128xf32> to vector<1024x128xbf16>
    %convert_element_type3A_247 = arith.truncf %get3A_245 : vector<128x128xf32> to vector<128x128xbf16>
    %dot_general3A_248 = arith.constant dense<0.000000e+00> : vector<1024x128xf32>
    %dot_general3A_249 = tpu.matmul %convert_element_type3A_246, %convert_element_type3A_247, %dot_general3A_248 {dimension_numbers = #tpu.dot_dimension_numbers<[1], [0], [0], [1], [0, 0, 1, 1], [], []>, transpose_lhs_hint = false} : vector<1024x128xbf16>, vector<128x128xbf16>, vector<1024x128xf32> -> vector<1024x128xf32>
    %get3A_250 = arith.constant 9 : index
    %get3A_251 = arith.constant 0 : index
    %get3A_252 = arith.constant 0 : index
    %get3A_253 = vector.load %arg13[%get3A_250, %get3A_251, %get3A_252] : memref<12x1x128xf32, #tpu.memory_space<vmem>>, vector<1x1x128xf32>
    %get3A_254 = vector.shape_cast %get3A_253 : vector<1x1x128xf32> to vector<1x128xf32>
    %add3A_255 = vector.broadcast %get3A_254 : vector<1x128xf32> to vector<1024x128xf32>
    %add3A_256 = arith.addf %dot_general3A_249, %add3A_255 : vector<1024x128xf32>
    %dot_general3A_257 = arith.constant dense<0.000000e+00> : vector<1024x128xf32>
    %dot_general3A_258 = tpu.matmul %select_n3A, %max3A_221, %dot_general3A_257 {dimension_numbers = #tpu.dot_dimension_numbers<[1], [0], [0], [1], [0, 0, 1, 1], [], []>, precision = #tpu.contract_precision<fp32>, transpose_lhs_hint = false} : vector<1024x64xf32>, vector<64x128xf32>, vector<1024x128xf32> -> vector<1024x128xf32>
    %add3A_259 = arith.addf %dot_general3A_258, %add3A_256 : vector<1024x128xf32>
    %max3A_260 = arith.constant 0.000000e+00 : f32
    %max3A_261 = vector.broadcast %max3A_260 : f32 to vector<1024x128xf32>
    %max3A_262 = arith.maximumf %add3A_259, %max3A_261 : vector<1024x128xf32>
    %dot_general3A_263 = arith.constant dense<0.000000e+00> : vector<64x128xf32>
    %dot_general3A_264 = tpu.matmul %select_n3A_58, %max3A_262, %dot_general3A_263 {dimension_numbers = #tpu.dot_dimension_numbers<[1], [0], [0], [1], [0, 0, 1, 1], [], []>, precision = #tpu.contract_precision<fp32>, transpose_lhs_hint = false} : vector<64x1024xf32>, vector<1024x128xf32>, vector<64x128xf32> -> vector<64x128xf32>
    %add3A_265 = arith.addf %max3A_221, %dot_general3A_264 : vector<64x128xf32>
    %get3A_266 = arith.constant 10 : index
    %get3A_267 = arith.constant 0 : index
    %get3A_268 = arith.constant 0 : index
    %get3A_269 = vector.load %arg12[%get3A_266, %get3A_267, %get3A_268] : memref<12x128x128xf32, #tpu.memory_space<vmem>>, vector<1x128x128xf32>
    %get3A_270 = vector.shape_cast %get3A_269 : vector<1x128x128xf32> to vector<128x128xf32>
    %convert_element_type3A_271 = arith.truncf %add3A_265 : vector<64x128xf32> to vector<64x128xbf16>
    %convert_element_type3A_272 = arith.truncf %get3A_270 : vector<128x128xf32> to vector<128x128xbf16>
    %dot_general3A_273 = arith.constant dense<0.000000e+00> : vector<64x128xf32>
    %dot_general3A_274 = tpu.matmul %convert_element_type3A_271, %convert_element_type3A_272, %dot_general3A_273 {dimension_numbers = #tpu.dot_dimension_numbers<[1], [0], [0], [1], [0, 0, 1, 1], [], []>, transpose_lhs_hint = false} : vector<64x128xbf16>, vector<128x128xbf16>, vector<64x128xf32> -> vector<64x128xf32>
    %get3A_275 = arith.constant 10 : index
    %get3A_276 = arith.constant 0 : index
    %get3A_277 = arith.constant 0 : index
    %get3A_278 = vector.load %arg13[%get3A_275, %get3A_276, %get3A_277] : memref<12x1x128xf32, #tpu.memory_space<vmem>>, vector<1x1x128xf32>
    %get3A_279 = vector.shape_cast %get3A_278 : vector<1x1x128xf32> to vector<1x128xf32>
    %add3A_280 = vector.broadcast %get3A_279 : vector<1x128xf32> to vector<64x128xf32>
    %add3A_281 = arith.addf %dot_general3A_274, %add3A_280 : vector<64x128xf32>
    %max3A_282 = arith.constant 0.000000e+00 : f32
    %max3A_283 = vector.broadcast %max3A_282 : f32 to vector<64x128xf32>
    %max3A_284 = arith.maximumf %add3A_281, %max3A_283 : vector<64x128xf32>
    %get3A_285 = arith.constant 11 : index
    %get3A_286 = arith.constant 0 : index
    %get3A_287 = arith.constant 0 : index
    %get3A_288 = vector.load %arg12[%get3A_285, %get3A_286, %get3A_287] : memref<12x128x128xf32, #tpu.memory_space<vmem>>, vector<1x128x128xf32>
    %get3A_289 = vector.shape_cast %get3A_288 : vector<1x128x128xf32> to vector<128x128xf32>
    %convert_element_type3A_290 = arith.truncf %max3A_284 : vector<64x128xf32> to vector<64x128xbf16>
    %convert_element_type3A_291 = arith.truncf %get3A_289 : vector<128x128xf32> to vector<128x128xbf16>
    %dot_general3A_292 = arith.constant dense<0.000000e+00> : vector<64x128xf32>
    %dot_general3A_293 = tpu.matmul %convert_element_type3A_290, %convert_element_type3A_291, %dot_general3A_292 {dimension_numbers = #tpu.dot_dimension_numbers<[1], [0], [0], [1], [0, 0, 1, 1], [], []>, transpose_lhs_hint = false} : vector<64x128xbf16>, vector<128x128xbf16>, vector<64x128xf32> -> vector<64x128xf32>
    %get3A_294 = arith.constant 11 : index
    %get3A_295 = arith.constant 0 : index
    %get3A_296 = arith.constant 0 : index
    %get3A_297 = vector.load %arg13[%get3A_294, %get3A_295, %get3A_296] : memref<12x1x128xf32, #tpu.memory_space<vmem>>, vector<1x1x128xf32>
    %get3A_298 = vector.shape_cast %get3A_297 : vector<1x1x128xf32> to vector<1x128xf32>
    %add3A_299 = vector.broadcast %get3A_298 : vector<1x128xf32> to vector<64x128xf32>
    %add3A_300 = arith.addf %dot_general3A_293, %add3A_299 : vector<64x128xf32>
    %get3A_301 = arith.constant 0 : index
    %get3A_302 = arith.constant 0 : index
    %get3A_303 = vector.load %arg14[%get3A_301, %get3A_302] : memref<8x128xf32, #tpu.memory_space<vmem>>, vector<8x128xf32>
    %get3A_304 = arith.constant 0 : index
    %get3A_305 = arith.constant 0 : index
    %get3A_306 = vector.load %arg16[%get3A_304, %get3A_305] : memref<1x128xf32, #tpu.memory_space<vmem>>, vector<1x128xf32>
    %get3A_307 = arith.constant 0 : index
    %get3A_308 = arith.constant 0 : index
    %get3A_309 = vector.load %arg17[%get3A_307, %get3A_308] : memref<128x1xf32, #tpu.memory_space<vmem>>, vector<128x1xf32>
    %get3A_310 = arith.constant 0 : index
    %get3A_311 = arith.constant 0 : index
    %get3A_312 = vector.load %arg18[%get3A_310, %get3A_311] : memref<1x1xf32, #tpu.memory_space<vmem>>, vector<1x1xf32>
    %iota3A_313 = tpu.iota {dimensions = array<i32: 0>} : vector<128x8xi32>
    %jit3A_314 = arith.constant 8 : i32
    %eq3A_315 = arith.constant 0 : i32
    %eq3A_316 = arith.cmpi eq, %jit3A_314, %eq3A_315 : i32
    %jit3A_317 = arith.constant 1 : i32
    %select_n3A_318 = arith.select %eq3A_316, %jit3A_317, %jit3A_314 : i32
    %rem3A = vector.broadcast %select_n3A_318 : i32 to vector<128x8xi32>
    %rem3A_319 = arith.remsi %iota3A_313, %rem3A : vector<128x8xi32>
    %ne3A = arith.constant 0 : i32
    %ne3A_320 = vector.broadcast %ne3A : i32 to vector<128x8xi32>
    %ne3A_321 = arith.cmpi ne, %rem3A_319, %ne3A_320 : vector<128x8xi32>
    %lt3A = arith.constant 0 : i32
    %lt3A_322 = vector.broadcast %lt3A : i32 to vector<128x8xi32>
    %lt3A_323 = arith.cmpi slt, %rem3A_319, %lt3A_322 : vector<128x8xi32>
    %lt3A_324 = arith.constant 0 : i32
    %lt3A_325 = arith.cmpi slt, %select_n3A_318, %lt3A_324 : i32
    %ne3A_326 = vector.broadcast %lt3A_325 : i1 to vector<128x8xi1>
    %ne3A_327 = vector.broadcast %ne3A_326 : vector<128x8xi1> to vector<128x8xi1>
    %ne3A_328 = arith.xori %lt3A_323, %ne3A_327 : vector<128x8xi1>
    %and3A = arith.andi %ne3A_328, %ne3A_321 : vector<128x8xi1>
    %add3A_329 = vector.broadcast %select_n3A_318 : i32 to vector<128x8xi32>
    %add3A_330 = arith.addi %rem3A_319, %add3A_329 : vector<128x8xi32>
    %select_n3A_331 = arith.select %and3A, %add3A_330, %rem3A_319 : vector<128x8xi1>, vector<128x8xi32>
    %iota3A_332 = tpu.iota {dimensions = array<i32: 1>} : vector<128x8xi32>
    %eq3A_333 = arith.cmpi eq, %select_n3A_331, %iota3A_332 : vector<128x8xi32>
    %jit3A_334 = arith.constant 1.000000e+00 : f32
    %jit3A_335 = arith.constant 0.000000e+00 : f32
    %broadcast_in_dim3A_336 = vector.broadcast %jit3A_334 : f32 to vector<128x8xf32>
    %broadcast_in_dim3A_337 = vector.broadcast %jit3A_335 : f32 to vector<128x8xf32>
    %select_n3A_338 = arith.select %eq3A_333, %broadcast_in_dim3A_336, %broadcast_in_dim3A_337 : vector<128x8xi1>, vector<128x8xf32>
    %convert_element_type3A_339 = arith.truncf %add3A_300 : vector<64x128xf32> to vector<64x128xbf16>
    %convert_element_type3A_340 = arith.extf %convert_element_type3A_339 : vector<64x128xbf16> to vector<64x128xf32>
    %broadcast_in_dim3A_341 = vector.shape_cast %convert_element_type3A_340 : vector<64x128xf32> to vector<64x1x128xf32>
    %broadcast_in_dim3A_342 = vector.shape_cast %broadcast_in_dim3A_341 : vector<64x1x128xf32> to vector<64x1x128xf32>
    %broadcast_in_dim3A_343 = vector.broadcast %broadcast_in_dim3A_342 : vector<64x1x128xf32> to vector<64x64x128xf32>
    %reshape3A = vector.shape_cast %broadcast_in_dim3A_343 : vector<64x64x128xf32> to vector<4096x128xf32>
    %broadcast_in_dim3A_344 = vector.shape_cast %convert_element_type3A_340 : vector<64x128xf32> to vector<1x64x128xf32>
    %broadcast_in_dim3A_345 = vector.shape_cast %broadcast_in_dim3A_344 : vector<1x64x128xf32> to vector<1x64x128xf32>
    %broadcast_in_dim3A_346 = vector.broadcast %broadcast_in_dim3A_345 : vector<1x64x128xf32> to vector<64x64x128xf32>
    %reshape3A_347 = vector.shape_cast %broadcast_in_dim3A_346 : vector<64x64x128xf32> to vector<4096x128xf32>
    %mul3A = arith.mulf %reshape3A, %reshape3A_347 : vector<4096x128xf32>
    %dot_general3A_348 = arith.constant dense<0.000000e+00> : vector<4096x8xf32>
    %dot_general3A_349 = tpu.matmul %mul3A, %select_n3A_338, %dot_general3A_348 {dimension_numbers = #tpu.dot_dimension_numbers<[1], [0], [0], [1], [0, 0, 1, 1], [], []>, precision = #tpu.contract_precision<fp32>, transpose_lhs_hint = false} : vector<4096x128xf32>, vector<128x8xf32>, vector<4096x8xf32> -> vector<4096x8xf32>
    %convert_element_type3A_350 = arith.truncf %dot_general3A_349 : vector<4096x8xf32> to vector<4096x8xbf16>
    %convert_element_type3A_351 = arith.truncf %get3A_303 : vector<8x128xf32> to vector<8x128xbf16>
    %dot_general3A_352 = arith.constant dense<0.000000e+00> : vector<4096x128xf32>
    %dot_general3A_353 = tpu.matmul %convert_element_type3A_350, %convert_element_type3A_351, %dot_general3A_352 {dimension_numbers = #tpu.dot_dimension_numbers<[1], [0], [0], [1], [0, 0, 1, 1], [], []>, transpose_lhs_hint = false} : vector<4096x8xbf16>, vector<8x128xbf16>, vector<4096x128xf32> -> vector<4096x128xf32>
    %add3A_354 = vector.broadcast %get3A_306 : vector<1x128xf32> to vector<4096x128xf32>
    %add3A_355 = arith.addf %dot_general3A_353, %add3A_354 : vector<4096x128xf32>
    %max3A_356 = arith.constant 0.000000e+00 : f32
    %max3A_357 = vector.broadcast %max3A_356 : f32 to vector<4096x128xf32>
    %max3A_358 = arith.maximumf %add3A_355, %max3A_357 : vector<4096x128xf32>
    %convert_element_type3A_359 = arith.truncf %max3A_358 : vector<4096x128xf32> to vector<4096x128xbf16>
    %convert_element_type3A_360 = arith.truncf %get3A_309 : vector<128x1xf32> to vector<128x1xbf16>
    %dot_general3A_361 = arith.constant dense<0.000000e+00> : vector<4096x1xf32>
    %dot_general3A_362 = tpu.matmul %convert_element_type3A_359, %convert_element_type3A_360, %dot_general3A_361 {dimension_numbers = #tpu.dot_dimension_numbers<[1], [0], [0], [1], [0, 0, 1, 1], [], []>, transpose_lhs_hint = false} : vector<4096x128xbf16>, vector<128x1xbf16>, vector<4096x1xf32> -> vector<4096x1xf32>
    %add3A_363 = vector.broadcast %get3A_312 : vector<1x1xf32> to vector<4096x1xf32>
    %add3A_364 = arith.addf %dot_general3A_362, %add3A_363 : vector<4096x1xf32>
    %swap3A = arith.constant 0 : index
    %swap3A_365 = arith.constant 0 : index
    %swap3A_366 = vector.load %arg19[%swap3A, %swap3A_365] : memref<4096x1xf32, #tpu.memory_space<vmem>>, vector<4096x1xf32>
    tpu.vector_store %arg19[%swap3A, %swap3A_365], %add3A_364 {strides = array<i32>} : memref<4096x1xf32, #tpu.memory_space<vmem>>, vector<4096x1xf32>,
    %dot_general3A_367 = arith.constant dense<0.000000e+00> : vector<1024x128xf32>
    %dot_general3A_368 = tpu.matmul %select_n3A, %convert_element_type3A_340, %dot_general3A_367 {dimension_numbers = #tpu.dot_dimension_numbers<[1], [0], [0], [1], [0, 0, 1, 1], [], []>, precision = #tpu.contract_precision<fp32>, transpose_lhs_hint = false} : vector<1024x64xf32>, vector<64x128xf32>, vector<1024x128xf32> -> vector<1024x128xf32>
    %dot_general3A_369 = arith.constant dense<0.000000e+00> : vector<1024x128xf32>
    %dot_general3A_370 = tpu.matmul %select_n3A_50, %convert_element_type3A_340, %dot_general3A_369 {dimension_numbers = #tpu.dot_dimension_numbers<[1], [0], [0], [1], [0, 0, 1, 1], [], []>, precision = #tpu.contract_precision<fp32>, transpose_lhs_hint = false} : vector<1024x64xf32>, vector<64x128xf32>, vector<1024x128xf32> -> vector<1024x128xf32>
    %mul3A_371 = arith.mulf %dot_general3A_368, %dot_general3A_370 : vector<1024x128xf32>
    %dot_general3A_372 = arith.constant dense<0.000000e+00> : vector<1024x8xf32>
    %dot_general3A_373 = tpu.matmul %mul3A_371, %select_n3A_338, %dot_general3A_372 {dimension_numbers = #tpu.dot_dimension_numbers<[1], [0], [0], [1], [0, 0, 1, 1], [], []>, precision = #tpu.contract_precision<fp32>, transpose_lhs_hint = false} : vector<1024x128xf32>, vector<128x8xf32>, vector<1024x8xf32> -> vector<1024x8xf32>
    %convert_element_type3A_374 = arith.truncf %dot_general3A_373 : vector<1024x8xf32> to vector<1024x8xbf16>
    %convert_element_type3A_375 = arith.truncf %get3A_303 : vector<8x128xf32> to vector<8x128xbf16>
    %dot_general3A_376 = arith.constant dense<0.000000e+00> : vector<1024x128xf32>
    %dot_general3A_377 = tpu.matmul %convert_element_type3A_374, %convert_element_type3A_375, %dot_general3A_376 {dimension_numbers = #tpu.dot_dimension_numbers<[1], [0], [0], [1], [0, 0, 1, 1], [], []>, transpose_lhs_hint = false} : vector<1024x8xbf16>, vector<8x128xbf16>, vector<1024x128xf32> -> vector<1024x128xf32>
    %add3A_378 = vector.broadcast %get3A_306 : vector<1x128xf32> to vector<1024x128xf32>
    %add3A_379 = arith.addf %dot_general3A_377, %add3A_378 : vector<1024x128xf32>
    %get3A_380 = arith.constant 0 : index
    %get3A_381 = arith.constant 0 : index
    %get3A_382 = vector.load %arg15[%get3A_380, %get3A_381] : memref<128x128xf32, #tpu.memory_space<vmem>>, vector<128x128xf32>
    %convert_element_type3A_383 = arith.truncf %add3A_25 : vector<1024x128xf32> to vector<1024x128xbf16>
    %convert_element_type3A_384 = arith.truncf %get3A_382 : vector<128x128xf32> to vector<128x128xbf16>
    %dot_general3A_385 = arith.constant dense<0.000000e+00> : vector<1024x128xf32>
    %dot_general3A_386 = tpu.matmul %convert_element_type3A_383, %convert_element_type3A_384, %dot_general3A_385 {dimension_numbers = #tpu.dot_dimension_numbers<[1], [0], [0], [1], [0, 0, 1, 1], [], []>, transpose_lhs_hint = false} : vector<1024x128xbf16>, vector<128x128xbf16>, vector<1024x128xf32> -> vector<1024x128xf32>
    %add3A_387 = arith.addf %add3A_379, %dot_general3A_386 : vector<1024x128xf32>
    %max3A_388 = arith.constant 0.000000e+00 : f32
    %max3A_389 = vector.broadcast %max3A_388 : f32 to vector<1024x128xf32>
    %max3A_390 = arith.maximumf %add3A_387, %max3A_389 : vector<1024x128xf32>
    %convert_element_type3A_391 = arith.truncf %max3A_390 : vector<1024x128xf32> to vector<1024x128xbf16>
    %convert_element_type3A_392 = arith.truncf %get3A_309 : vector<128x1xf32> to vector<128x1xbf16>
    %dot_general3A_393 = arith.constant dense<0.000000e+00> : vector<1024x1xf32>
    %dot_general3A_394 = tpu.matmul %convert_element_type3A_391, %convert_element_type3A_392, %dot_general3A_393 {dimension_numbers = #tpu.dot_dimension_numbers<[1], [0], [0], [1], [0, 0, 1, 1], [], []>, transpose_lhs_hint = false} : vector<1024x128xbf16>, vector<128x1xbf16>, vector<1024x1xf32> -> vector<1024x1xf32>
    %add3A_395 = vector.broadcast %get3A_312 : vector<1x1xf32> to vector<1024x1xf32>
    %add3A_396 = arith.addf %dot_general3A_394, %add3A_395 : vector<1024x1xf32>
    %swap3A_397 = arith.constant 0 : index
    %swap3A_398 = arith.constant 0 : index
    %swap3A_399 = vector.load %arg20[%swap3A_397, %swap3A_398] : memref<1024x1xf32, #tpu.memory_space<vmem>>, vector<1024x1xf32>
    tpu.vector_store %arg20[%swap3A_397, %swap3A_398], %add3A_396 {strides = array<i32>} : memref<1024x1xf32, #tpu.memory_space<vmem>>, vector<1024x1xf32>,
    %get3A_400 = arith.constant 0 : index
    %get3A_401 = arith.constant 0 : index
    %get3A_402 = arith.constant 0 : index
    %get3A_403 = vector.load %arg6[%get3A_400, %get3A_401, %get3A_402] : memref<1x1024x1xi32, #tpu.memory_space<vmem>>, vector<1x1024x1xi32>
    %get3A_404 = vector.shape_cast %get3A_403 : vector<1x1024x1xi32> to vector<1024x1xi32>
    %get3A_405 = arith.constant 0 : index
    %get3A_406 = arith.constant 0 : index
    %get3A_407 = arith.constant 0 : index
    %get3A_408 = vector.load %arg7[%get3A_405, %get3A_406, %get3A_407] : memref<1x1x1024xi32, #tpu.memory_space<vmem>>, vector<1x1x1024xi32>
    %get3A_409 = vector.shape_cast %get3A_408 : vector<1x1x1024xi32> to vector<1x1024xi32>
    %iota3A_410 = tpu.iota {dimensions = array<i32: 0>} : vector<1024x1024xi32>
    %iota3A_411 = tpu.iota {dimensions = array<i32: 1>} : vector<1024x1024xi32>
    %eq3A_412 = vector.broadcast %get3A_404 : vector<1024x1xi32> to vector<1024x1024xi32>
    %eq3A_413 = vector.broadcast %get3A_409 : vector<1x1024xi32> to vector<1024x1024xi32>
    %eq3A_414 = arith.cmpi eq, %eq3A_412, %eq3A_413 : vector<1024x1024xi32>
    %gt3A = arith.cmpi sgt, %iota3A_411, %iota3A_410 : vector<1024x1024xi32>
    %and3A_415 = arith.andi %eq3A_414, %gt3A : vector<1024x1024xi1>
    %jit3A_416 = arith.constant 1.000000e+00 : f32
    %jit3A_417 = arith.constant 0.000000e+00 : f32
    %broadcast_in_dim3A_418 = vector.broadcast %jit3A_416 : f32 to vector<1024x1024xf32>
    %broadcast_in_dim3A_419 = vector.broadcast %jit3A_417 : f32 to vector<1024x1024xf32>
    %select_n3A_420 = arith.select %and3A_415, %broadcast_in_dim3A_418, %broadcast_in_dim3A_419 : vector<1024x1024xi1>, vector<1024x1024xf32>
    %reduce_sum3A = arith.constant dense<0.000000e+00> : vector<1024xf32>
    %reduce_sum3A_421 = vector.multi_reduction <add>, %select_n3A_420, %reduce_sum3A [1] : vector<1024x1024xf32> to vector<1024xf32>
    %broadcast_in_dim3A_422 = vector.shape_cast %reduce_sum3A_421 : vector<1024xf32> to vector<1024x1xf32>
    %rem3A_423 = arith.constant 2 : i32
    %rem3A_424 = arith.remsi %arg0, %rem3A_423 : i32
    %mul3A_425 = arith.constant 4096 : i32
    %mul3A_426 = arith.muli %rem3A_424, %mul3A_425 : i32
    %eq3A_427 = arith.constant 0.000000e+00 : f32
    %eq3A_428 = vector.broadcast %eq3A_427 : f32 to vector<1024x1xf32>
    %eq3A_429 = arith.cmpf oeq, %broadcast_in_dim3A_422, %eq3A_428 : vector<1024x1xf32>
    %add3A_430 = vector.broadcast %mul3A_426 : i32 to vector<1024x1xi32>
    %add3A_431 = arith.addi %get3A_404, %add3A_430 : vector<1024x1xi32>
    %jit3A_432 = arith.constant 8192 : i32
    %broadcast_in_dim3A_433 = vector.broadcast %jit3A_432 : i32 to vector<1024x1xi32>
    %select_n3A_434 = arith.select %eq3A_429, %add3A_431, %broadcast_in_dim3A_433 : vector<1024x1xi1>, vector<1024x1xi32>
    %swap3A_435 = arith.constant 0 : index
    %swap3A_436 = arith.constant 0 : index
    %swap3A_437 = vector.load %arg21[%swap3A_435, %swap3A_436] : memref<1024x1xi32, #tpu.memory_space<vmem>>, vector<1024x1xi32>
    tpu.vector_store %arg21[%swap3A_435, %swap3A_436], %select_n3A_434 {strides = array<i32>} : memref<1024x1xi32, #tpu.memory_space<vmem>>, vector<1024x1xi32>,
    return
  }
  func.func @transform_0(%arg0: i32) -> (i32, i32) {
    %c0_i32 = arith.constant 0 : i32
    %c0_i32_0 = arith.constant 0 : i32
    return %arg0, %c0_i32 : i32, i32
  }
  func.func @transform_1(%arg0: i32) -> (i32, i32) {
    %c0_i32 = arith.constant 0 : i32
    %c0_i32_0 = arith.constant 0 : i32
    return %arg0, %c0_i32 : i32, i32
  }
  func.func @transform_2(%arg0: i32) -> (i32, i32, i32) {
    %c0_i32 = arith.constant 0 : i32
    %c0_i32_0 = arith.constant 0 : i32
    %c0_i32_1 = arith.constant 0 : i32
    return %arg0, %c0_i32, %c0_i32_0 : i32, i32, i32
  }
  func.func @transform_3(%arg0: i32) -> (i32, i32, i32) {
    %c0_i32 = arith.constant 0 : i32
    %c0_i32_0 = arith.constant 0 : i32
    %c0_i32_1 = arith.constant 0 : i32
    return %arg0, %c0_i32, %c0_i32_0 : i32, i32, i32
  }
  func.func @transform_4(%arg0: i32) -> (i32, i32, i32) {
    %c0_i32 = arith.constant 0 : i32
    %c0_i32_0 = arith.constant 0 : i32
    %c0_i32_1 = arith.constant 0 : i32
    return %arg0, %c0_i32, %c0_i32_0 : i32, i32, i32
  }
  func.func @transform_5(%arg0: i32) -> (i32, i32, i32) {
    %c0_i32 = arith.constant 0 : i32
    %c0_i32_0 = arith.constant 0 : i32
    %c0_i32_1 = arith.constant 0 : i32
    return %arg0, %c0_i32, %c0_i32_0 : i32, i32, i32
  }
  func.func @transform_6(%arg0: i32) -> (i32, i32, i32) {
    %c0_i32 = arith.constant 0 : i32
    %c0_i32_0 = arith.constant 0 : i32
    %c0_i32_1 = arith.constant 0 : i32
    return %arg0, %c0_i32, %c0_i32_0 : i32, i32, i32
  }
  func.func @transform_7(%arg0: i32) -> (i32, i32) {
    %c0_i32 = arith.constant 0 : i32
    %c0_i32_0 = arith.constant 0 : i32
    %c0_i32_1 = arith.constant 0 : i32
    return %c0_i32, %c0_i32_0 : i32, i32
  }
  func.func @transform_8(%arg0: i32) -> (i32, i32) {
    %c0_i32 = arith.constant 0 : i32
    %c0_i32_0 = arith.constant 0 : i32
    %c0_i32_1 = arith.constant 0 : i32
    return %c0_i32, %c0_i32_0 : i32, i32
  }
  func.func @transform_9(%arg0: i32) -> (i32, i32) {
    %c0_i32 = arith.constant 0 : i32
    %c0_i32_0 = arith.constant 0 : i32
    %c0_i32_1 = arith.constant 0 : i32
    return %c0_i32, %c0_i32_0 : i32, i32
  }
  func.func @transform_10(%arg0: i32) -> (i32, i32) {
    %c0_i32 = arith.constant 0 : i32
    %c0_i32_0 = arith.constant 0 : i32
    %c0_i32_1 = arith.constant 0 : i32
    return %c0_i32, %c0_i32_0 : i32, i32
  }
  func.func @transform_11(%arg0: i32) -> (i32, i32, i32) {
    %c0_i32 = arith.constant 0 : i32
    %c0_i32_0 = arith.constant 0 : i32
    %c0_i32_1 = arith.constant 0 : i32
    %c0_i32_2 = arith.constant 0 : i32
    return %c0_i32, %c0_i32_0, %c0_i32_1 : i32, i32, i32
  }
  func.func @transform_12(%arg0: i32) -> (i32, i32, i32) {
    %c0_i32 = arith.constant 0 : i32
    %c0_i32_0 = arith.constant 0 : i32
    %c0_i32_1 = arith.constant 0 : i32
    %c0_i32_2 = arith.constant 0 : i32
    return %c0_i32, %c0_i32_0, %c0_i32_1 : i32, i32, i32
  }
  func.func @transform_13(%arg0: i32) -> (i32, i32) {
    %c0_i32 = arith.constant 0 : i32
    %c0_i32_0 = arith.constant 0 : i32
    %c0_i32_1 = arith.constant 0 : i32
    return %c0_i32, %c0_i32_0 : i32, i32
  }
  func.func @transform_14(%arg0: i32) -> (i32, i32) {
    %c0_i32 = arith.constant 0 : i32
    %c0_i32_0 = arith.constant 0 : i32
    %c0_i32_1 = arith.constant 0 : i32
    return %c0_i32, %c0_i32_0 : i32, i32
  }
  func.func @transform_15(%arg0: i32) -> (i32, i32) {
    %c0_i32 = arith.constant 0 : i32
    %c0_i32_0 = arith.constant 0 : i32
    %c0_i32_1 = arith.constant 0 : i32
    return %c0_i32, %c0_i32_0 : i32, i32
  }
  func.func @transform_16(%arg0: i32) -> (i32, i32) {
    %c0_i32 = arith.constant 0 : i32
    %c0_i32_0 = arith.constant 0 : i32
    %c0_i32_1 = arith.constant 0 : i32
    return %c0_i32, %c0_i32_0 : i32, i32
  }
  func.func @transform_17(%arg0: i32) -> (i32, i32) {
    %c0_i32 = arith.constant 0 : i32
    %c0_i32_0 = arith.constant 0 : i32
    %c0_i32_1 = arith.constant 0 : i32
    return %c0_i32, %c0_i32_0 : i32, i32
  }
  func.func @transform_18(%arg0: i32) -> (i32, i32) {
    %c0_i32 = arith.constant 0 : i32
    %c0_i32_0 = arith.constant 0 : i32
    return %arg0, %c0_i32 : i32, i32
  }
  func.func @transform_19(%arg0: i32) -> (i32, i32) {
    %c0_i32 = arith.constant 0 : i32
    %c0_i32_0 = arith.constant 0 : i32
    return %arg0, %c0_i32 : i32, i32
  }
  func.func @transform_20(%arg0: i32) -> (i32, i32) {
    %c0_i32 = arith.constant 0 : i32
    %c0_i32_0 = arith.constant 0 : i32
    return %arg0, %c0_i32 : i32, i32
  }
}

</mosaic_0001>

<sc_bundles>
// kernel: kernel.4.cloned.1.call-start
scs
__scs_entry_jumppad:
0x0: {  	(pc) =	sbr.rel $0x88, $3  }
0x1: {  	(tag) =	ssettag $0x0;
	lr =	simm.s32 $0x1  }
0x2: {  	[smem:$0x3F7E] =	sst lr;
	_ =	strace $0xD0000000  }
0x3: {  	_ = 	snop  }
0x4: {  	_ = 	snop  }
0x5: {  	_ = 	snop  }
0x6: {  	_ = 	snop  }
0x7: {  	_ = 	snop  }
__scs_overlays_trampoline_lowered:
0x8: {  	[smem:$0x3F8D] =	sst s0  }
0x9: {  	[smem:$0x3F8E] =	sst s1  }
0xa: {  	[smem:$0x3F8F] =	sst s2  }
0xb: {  	[smem:$0x3F90] =	sst s3  }
0xc: {  	[smem:$0x3F91] =	sst s4  }
0xd: {  	[smem:$0x3F92] =	sst s5  }
0xe: {  	[smem:$0x3F93] =	sst s6  }
0xf: {  	[smem:$0x3F94] =	sst s7  }
0x10: {  	[smem:$0x3F95] =	sst s8  }
0x11: {  	[smem:$0x3F96] =	sst s9;
	s0 =	simm.s32 @!p0 $0x0  }
0x12: {  	s1 =	sld [smem:$0x3F7C];
	s0 =	simm.s32 @p0 $0x1  }
0x13: {  	[smem:$0x3F97] =	sst s0;
	s0 =	simm.s32 @!p1 $0x0  }
0x14: {  	s2 =	sld [smem:$0x3F7B];
	s0 =	simm.s32 @p1 $0x1  }
0x15: {  	[smem:$0x3F98] =	sst s0;
	s0 =	simm.s32 @!p2 $0x0  }
0x16: {  	s3 =	sld [smem:$0x3FDB];
	s0 =	simm.s32 @p2 $0x1  }
0x17: {  	s4 =	simm.s32 $0x1BF5;
	[smem:$0x3F9A] =	sst s0  }
0x18: {  	s0 =	sld [smem:$0x3F7D];
	_ =	swait.ge [sflag:s4], $0x0  }
0x19: {  	s7 =	sld [smem:$0x3F7E]  }
0x1a: {  	s8 =	sadd.s32 $0xFFFFE003, lr  }
0x1b: {  	s9 =	sadd.s32 $0xFFFFFEF7, lr;
	s5 =	simm.s32 $0xFFFFFFFF;
	p2 =	slt.u32 s8, $0xFFFFF086  }
0x1c: {  	p1 =	slt.u32 s9, $0xF7A;
	s5 =	simm.s32 @!p2 $0x0  }
0x1d: {  	s5 =	simm.s32 @p1 $0x1;
	p0 =	seq.s32 s7, s2  }
0x1e: {  	s7 =	smul.u32 @!p0 $0xF7A, s2;
	p2 =	seq.s32 @!p0 s5, $0x0  }
0x1f: {  	s9 =	smul.u32 $0xF7A, s1;
	s8 =	simm.s32 @!p0 $0x1BF5;
	p2 =	por !p2, p0  }
0x20: {  	[sflag:s8] =	ssyncset.s32 @!p0 $0xFFFFF086;
	s6 =	sadd.s32 @!p0 s3, s7;
	s7 =	simm.s32 @!p0 $0x108  }
0x21: {  	s3 =	sadd.s32 s3, s9;
	s6 =	sadd.s32 @!p0 $0x88, s6;
	s7 =	simm.s32 @p2 $0x1082  }
0x22: {  	[simem:s7], [sflag:s8] =	dma.local @!p0 [hbm:s6], $0xF7A  }
0x23: {  	s9 =	sor.u32 $0xD0000000, s2;
	s6 =	simm.s32 $0x108;
	_ =	swait.ge @!p0 [sflag:s8], $0x0  }
0x24: {  	s3 =	sadd.s32 $0x88, s3;
	s6 =	simm.s32 @!p1 $0x1082;
	[sflag:s4] =	ssyncset.s32 $0xFFFFF086  }
0x25: {  	[simem:s6], [sflag:s4] =	dma.local [hbm:s3], $0xF7A  }
0x26: {  	[smem:$0x3F7E] =	sst s1;
	(tag) =	ssettag s2;
	_ =	strace s9  }
0x27: {  	s1 =	sld [smem:$0x3F8E]  }
0x28: {  	s2 =	sld [smem:$0x3F8F]  }
0x29: {  	s4 =	sld [smem:$0x3F91]  }
0x2a: {  	p0 =	seq.s32 s5, $0x0;
	s5 =	sld [smem:$0x3F92]  }
0x2b: {  	s6 =	sld [smem:$0x3F93]  }
0x2c: {  	s7 =	sld [smem:$0x3F94]  }
0x2d: {  	s3 =	simm.s32 $0x108;
	s8 =	sld [smem:$0x3F95]  }
0x2e: {  	s3 =	simm.s32 @!p0 $0x1082;
	s9 =	sld [smem:$0x3F96]  }
0x2f: {  	lr =	sadd.s32 s0, s3;
	s0 =	sld [smem:$0x3F8D]  }
0x30: {  	s3 =	sld [smem:$0x3F90]  }
0x31: {  	[smem:$0x3F99] =	sst s10  }
0x32: {  	s10 =	sld [smem:$0x3F97];
	_ =	sdelay $0x3  }
0x33: {  	p0 =	seq.s32 s10, $0x1;
	s10 =	sld [smem:$0x3F99];
	_ =	sdelay $0x3  }
0x34: {  	[smem:$0x3F99] =	sst s10  }
0x35: {  	s10 =	sld [smem:$0x3F98];
	_ =	sdelay $0x3  }
0x36: {  	p1 =	seq.s32 s10, $0x1;
	s10 =	sld [smem:$0x3F99];
	_ =	sdelay $0x3  }
0x37: {  	[smem:$0x3F99] =	sst s10  }
0x38: {  	s10 =	sld [smem:$0x3F9A]  }
0x39: {  	_ = 	snop;
	(pc) =	sbr.ind lr, $3  }
0x3a: {  	_ = 	snop  }
0x3b: {  	_ = 	snop  }
0x3c: {  	p2 =	seq.s32 s10, $0x1;
	s10 =	sld [smem:$0x3F99]  }
0x3d: {  	_ =	shalt  }
0x3e: {  	_ =	shalt  }
0x3f: {  	_ =	shalt  }
0x40: {  	_ =	shalt  }
0x41: {  	_ =	shalt  }
0x42: {  	_ =	shalt  }
0x43: {  	_ =	shalt  }
0x44: {  	_ =	shalt  }
0x45: {  	_ =	shalt  }
0x46: {  	_ =	shalt  }
0x47: {  	_ =	shalt  }
0x48: {  	_ =	shalt  }
0x49: {  	_ =	shalt  }
0x4a: {  	_ =	shalt  }
0x4b: {  	_ =	shalt  }
0x4c: {  	_ =	shalt  }
0x4d: {  	_ =	shalt  }
0x4e: {  	_ =	shalt  }
0x4f: {  	_ =	shalt  }
0x50: {  	_ =	shalt  }
0x51: {  	_ =	shalt  }
0x52: {  	_ =	shalt  }
0x53: {  	_ =	shalt  }
0x54: {  	_ =	shalt  }
0x55: {  	_ =	shalt  }
0x56: {  	_ =	shalt  }
0x57: {  	_ =	shalt  }
0x58: {  	_ =	shalt  }
0x59: {  	_ =	shalt  }
0x5a: {  	_ =	shalt  }
0x5b: {  	_ =	shalt  }
0x5c: {  	_ =	shalt  }
0x5d: {  	_ =	shalt  }
0x5e: {  	_ =	shalt  }
0x5f: {  	_ =	shalt  }
0x60: {  	_ =	shalt  }
0x61: {  	_ =	shalt  }
0x62: {  	_ =	shalt  }
0x63: {  	_ =	shalt  }
0x64: {  	_ =	shalt  }
0x65: {  	_ =	shalt  }
0x66: {  	_ =	shalt  }
0x67: {  	_ =	shalt  }
0x68: {  	_ =	shalt  }
0x69: {  	_ =	shalt  }
0x6a: {  	_ =	shalt  }
0x6b: {  	_ =	shalt  }
0x6c: {  	_ =	shalt  }
0x6d: {  	_ =	shalt  }
0x6e: {  	_ =	shalt  }
0x6f: {  	_ =	shalt  }
0x70: {  	_ =	shalt  }
0x71: {  	_ =	shalt  }
0x72: {  	_ =	shalt  }
0x73: {  	_ =	shalt  }
0x74: {  	_ =	shalt  }
0x75: {  	_ =	shalt  }
0x76: {  	_ =	shalt  }
0x77: {  	_ =	shalt  }
0x78: {  	_ =	shalt  }
0x79: {  	_ =	shalt  }
0x7a: {  	_ =	shalt  }
0x7b: {  	_ =	shalt  }
0x7c: {  	_ =	shalt  }
0x7d: {  	_ =	shalt  }
0x7e: {  	_ =	shalt  }
0x7f: {  	_ =	shalt  }
0x80: {  	_ =	shalt  }
0x81: {  	_ =	shalt  }
0x82: {  	_ =	shalt  }
0x83: {  	_ =	shalt  }
0x84: {  	_ =	shalt  }
0x85: {  	_ =	shalt  }
0x86: {  	_ =	shalt  }
0x87: {  	_ =	shalt  }
.Lfunc_end0:
.L_simem_size_0:
called_computation_lowered:
.L_overlay_start_0:
0x88: {  	s2 =	sld [smem:$0x3FD9]  }
0x89: {  	s3 =	sld [smem:$0x3FFE];
	_ =	sdelay $0x1  }
0x8a: {  	s1 =	srdreg.scid  }
0x8b: {  	s0 =	sand.u32 $0x1, s1  }
0x8c: {  	s14 =	sshll.u32 s0, $0xA;
	s2 =	sadd.s32 s3, s2  }
0x8d: {  	s2 =	sadd.s32 s2, s14  }
0x8e: {  	[smem:$0x3FA5] =	sst s2  }
0x8f: {  	_ = 	snop  }
0x90: {  	s2 =	sld [smem:$0x3FD0];
	_ =	sdelay $0x2  }
0x91: {  	s15 =	simm.s32 $0xA;
	s4 =	simm.s32 $0x10  }
0x92: {  	[smem:s4], [sflag:s15] =	dma.local [hbm:s2], $0x1  }
0x93: {  	_ =	swait.eq [sflag:s15], $0x1  }
0x94: {  	[sflag:s15] =	ssyncset.done $0x0  }
0x95: {  	s16 =	sld [smem:$0x10];
	[sflag:s15] =	ssyncadd.s32 $0xFFFFFFFF  }
0x96: {  	s17 =	sld [smem:$0x11];
	(tm) =	ssettm $0x1  }
0x97: {  	s18 =	sld [smem:$0x3FFB];
	_ =	sdelay $0x3  }
0x98: {  	_ =	strace s18  }
0x99: {  	s4 =	sld [smem:$0x3FFC];
	_ =	sdelay $0x3  }
0x9a: {  	_ =	strace s4  }
0x9b: {  	s4 =	sld [smem:$0x3FFD];
	_ =	sdelay $0x3  }
0x9c: {  	_ =	strace s4  }
0x9d: {  	_ =	strace $0x8FFFFFFF  }
0x9e: {  	s19 =	sld [smem:$0x3FDB];
	_ =	sdelay $0x1  }
0x9f: {  	s5 =	simm.s32 $_scs_section_size  }
0xa0: {  	s6 =	simm.s32 $_size__tile_overlayer_lowered;
	s7 =	simm.s32 $_tile_overlayer_lowered  }
0xa1: {  	s22 =	simm.s32 $0x1BFF;
	s21 =	sshll.u32 s7, $0x1;
	s4 =	sadd.s32 s5, s19  }
0xa2: {  	s8 =	simm.s32 $0x0;
	s20 =	sshll.u32 s6, $0x1;
	s6 =	sadd.s32 s21, s4  }
0xa3: {  	[timem:s8], [sflag:s22] =	dma.local [hbm:s6], s20  }
0xa4: {  	_ =	swait.ge [sflag:s22], s20  }
0xa5: {  	s5 =	ssub.s32 $0x0, s20;
	[sflag:s22] =	ssyncset.done $0x0  }
0xa6: {  	[sflag:s22] =	ssyncadd.s32 s5;
	_ =	sdelay $0x1  }
0xa7: {  	s23 =	simm.s32 $0x1B8B  }
0xa8: {  	_ =	swait.ge [sflag:s23], $0x1  }
0xa9: {  	[sflag:s23] =	ssyncset.done $0x0  }
0xaa: {  	s25 =	simm.s32 $0x1B8E;
	s24 =	sld [smem:$0x3FFE];
	[sflag:s23] =	ssyncadd.s32 $0xFFFFFFFF  }
0xab: {  	s26 =	simm.s32 $execute0_lowered;
	[smem:$0x3FD2] =	sst s25  }
0xac: {  	s6 =	sshll.u32 s26, $0x1;
	_ =	strace $0x80000046;
	[dreg:$0x1] =	wrdreg $0xFFFFFFFF  }
0xad: {  	s28 =	simm.s32 $_size_execute0_lowered;
	s4 =	sadd.s32 s4, s6;
	[dreg:$0x0] =	wrdreg $0x0  }
0xae: {  	s6 =	sshll.u32 s28, $0x1;
	[dreg:$0x2] =	wrdreg s4  }
0xaf: {  	[dreg:$0x3] =	wrdreg s6  }
0xb0: {  	[dreg:$0x4] =	wrdreg $0xC0  }
0xb1: {  	_ =	task [dreg:s8], $0x5FFFF  }
0xb2: {  	[dreg:$0x1] =	wrdreg $0xFFFFFFFF  }
0xb3: {  	[dreg:$0x0] =	wrdreg $0x60  }
0xb4: {  	[dreg:$0x2] =	wrdreg s17  }
0xb5: {  	[dreg:$0x3] =	wrdreg s16  }
0xb6: {  	[dreg:$0x4] =	wrdreg s24  }
0xb7: {  	[dreg:$0x5] =	wrdreg $0x9  }
0xb8: {  	_ =	task.clear_ibuf [dreg:s8], $0x6FFFF;
	_ =	strace $0x90000046  }
0xb9: {  	s29 =	simm.s32 $0x9;
	_ =	strace $0x80000048  }
0xba: {  	_ =	swait.ge [sflag:s29], $0x1  }
0xbb: {  	[sflag:s29] =	ssyncadd.s32 $0xFFFFFFFF  }
0xbc: {  	_ =	strace $0x90000048  }
0xbd: {  	_ =	sfence  }
0xbe: {  	s30 =	sld [smem:$0x0];
	_ =	sdelay $0x2  }
0xbf: {  	s31 =	sshll.u32 s1, $0xD;
	s1 =	sshrl.u32 s1, $0x2  }
0xc0: {  	s3 =	sand.u32 $0x4000, s31;
	s1 =	sadd.s32 s1, s30  }
0xc1: {  	s0 =	sor.u32 s3, s0;
	s1 =	sshll.u32 s1, $0x11  }
0xc2: {  	s0 =	sor.u32 s1, s0  }
0xc3: {  	s0 =	sadd.s32 $0x8F2B, s0  }
0xc4: {  	[sflag:s0] =	ssyncadd.remote.s32 $0x1  }
0xc5: {  	_ =	sfence.sel $0xFFFF  }
0xc6: {  	[dreg:$0x0] =	wrdreg $0xFFFFFFFF;
	(pc) =	sbr.abs _section_cstart, $3  }
0xc7: {  	[dreg:$0x1] =	wrdreg $0xFFFFFFFF  }
0xc8: {  	_ =	task.clear_ibuf [dreg:s8], $0x2FFFF;
	_ =	strace $0x9FFFFFFF  }
0xc9: {  	(tm) =	ssettm $0x7FFFFFFF  }
tec
execute0_lowered:
.L_overlay_start_1:
0x0: {  	(tag) =	ssettag $0x1  }
0x1: {  	s3 =	rddreg [dreg:$0x0]  }
0x2: {  	s4 =	rddreg [dreg:$0x1]  }
0x3: {  	s5 =	rddreg [dreg:$0x2]  }
0x4: {  	s2 =	simm.s32 $0x0;
	s6 =	srdreg.scid;
	s1 =	stileid.u32  }
0x5: {  	[smem:$0x7FF] =	sst s2;
	s6 =	sand.u32 $0x1, s6;
	s7 =	sshll.u32 s1, $0x1  }
0x6: {  	s0 =	rddreg [dreg:$0x3];
	_ =	strace $0x80000047;
	s7 =	sor.u32 s6, s7  }
0x7: {  	s6 =	ssub.s32 $0x2, s6;
	s8 =	sshll.u32 s7, $0x8;
	s7 =	sshll.u32 s7, $0xA  }
0x8: {  	s31 =	sshrl.u32 s6, $0x1;
	s9 =	sadd.s32 s8, s5;
	s10 =	sadd.s32 s7, s5  }
0x9: {  	s11 =	ssub.s32 s6, s31;
	s3 =	sadd.s32 s3, s7;
	s4 =	sadd.s32 s4, s8  }
0xa: {  	s8 =	simm.s32 $0x1;
	s5 =	sadd.s32 $0x3000, s9;
	s6 =	sadd.s32 $0x5000, s10  }
0xb: {  	s7 =	smax.u32 s11, $0x1;
	s9 =	simm.s32 $0x2000;
	s10 =	simm.s32 $0x2800  }
.LBB2_1:
0xc: {  	[tilespmem:s2], [sflag:$0x1] =	stream.linear.gather [hbm4b:s3+s2], $0x2000, $0x38;
	[tilespmem:$0x3000] =	vst v63  }
0xd: {  	_ =	swait.ge [sflag:s8], $0x2000  }
0xe: {  	[sflag:s8] =	ssyncset.done $0x0  }
0xf: {  	[sflag:s8] =	ssyncadd.s32 $0xFFFFE000  }
0x10: {  	[tilespmem:s9], [sflag:$0x1] =	stream.linear.gather [hbm4b:s4+s2], $0x800, $0x38;
	[tilespmem:$0x3000] =	vst v63  }
0x11: {  	_ =	swait.ge [sflag:s8], $0x800  }
0x12: {  	[sflag:s8] =	ssyncset.done $0x0  }
0x13: {  	[sflag:s8] =	ssyncadd.s32 $0xFFFFF800  }
0x14: {  	[tilespmem:s10], [sflag:$0x1] =	stream.linear.gather [hbm4b:s5+s2], $0x800, $0x38;
	[tilespmem:$0x3000] =	vst v63  }
0x15: {  	_ =	swait.ge [sflag:s8], $0x800  }
0x16: {  	[sflag:s8] =	ssyncset.done $0x0  }
0x17: {  	[sflag:s8] =	ssyncadd.s32 $0xFFFFF800  }
0x18: {  	v0 =	vld [tilespmem:$0x2000];
	_ =	sdelay $0x4  }
0x19: {  	vm0 =	vlt.s32 v0, $0x2000  }
0x1a: {  	v1 =	vld [tilespmem:$0x2800];
	_ =	sdelay $0x4  }
0x1b: {  	[tilespmem:v0+s2+$0x0] =	vst.idx.msk vm0, v1  }
0x1c: {  	v0 =	vld [tilespmem:$0x2010];
	_ =	sdelay $0x4  }
0x1d: {  	vm9 =	vlt.s32 v0, $0x2000  }
0x1e: {  	v1 =	vld [tilespmem:$0x2810];
	_ =	sdelay $0x4  }
0x1f: {  	[tilespmem:v0+s2+$0x0] =	vst.idx.msk vm9, v1  }
0x20: {  	v0 =	vld [tilespmem:$0x2020];
	_ =	sdelay $0x4  }
0x21: {  	vm10 =	vlt.s32 v0, $0x2000  }
0x22: {  	v1 =	vld [tilespmem:$0x2820];
	_ =	sdelay $0x4  }
0x23: {  	[tilespmem:v0+s2+$0x0] =	vst.idx.msk vm10, v1  }
0x24: {  	v0 =	vld [tilespmem:$0x2030];
	_ =	sdelay $0x4  }
0x25: {  	vm11 =	vlt.s32 v0, $0x2000  }
0x26: {  	v1 =	vld [tilespmem:$0x2830];
	_ =	sdelay $0x4  }
0x27: {  	[tilespmem:v0+s2+$0x0] =	vst.idx.msk vm11, v1  }
0x28: {  	v0 =	vld [tilespmem:$0x2040];
	_ =	sdelay $0x4  }
0x29: {  	vm12 =	vlt.s32 v0, $0x2000  }
0x2a: {  	v1 =	vld [tilespmem:$0x2840];
	_ =	sdelay $0x4  }
0x2b: {  	[tilespmem:v0+s2+$0x0] =	vst.idx.msk vm12, v1  }
0x2c: {  	v0 =	vld [tilespmem:$0x2050];
	_ =	sdelay $0x4  }
0x2d: {  	vm13 =	vlt.s32 v0, $0x2000  }
0x2e: {  	v1 =	vld [tilespmem:$0x2850];
	_ =	sdelay $0x4  }
0x2f: {  	[tilespmem:v0+s2+$0x0] =	vst.idx.msk vm13, v1  }
0x30: {  	v0 =	vld [tilespmem:$0x2060];
	_ =	sdelay $0x4  }
0x31: {  	vm14 =	vlt.s32 v0, $0x2000  }
0x32: {  	v1 =	vld [tilespmem:$0x2860];
	_ =	sdelay $0x4  }
0x33: {  	[tilespmem:v0+s2+$0x0] =	vst.idx.msk vm14, v1  }
0x34: {  	v0 =	vld [tilespmem:$0x2070];
	_ =	sdelay $0x4  }
0x35: {  	vm15 =	vlt.s32 v0, $0x2000  }
0x36: {  	v1 =	vld [tilespmem:$0x2870];
	_ =	sdelay $0x4  }
0x37: {  	[tilespmem:v0+s2+$0x0] =	vst.idx.msk vm15, v1  }
0x38: {  	v0 =	vld [tilespmem:$0x2080];
	_ =	sdelay $0x4  }
0x39: {  	vm4 =	vlt.s32 v0, $0x2000  }
0x3a: {  	v1 =	vld [tilespmem:$0x2880];
	_ =	sdelay $0x4  }
0x3b: {  	[tilespmem:v0+s2+$0x0] =	vst.idx.msk vm4, v1  }
0x3c: {  	v0 =	vld [tilespmem:$0x2090];
	_ =	sdelay $0x4  }
0x3d: {  	vm5 =	vlt.s32 v0, $0x2000  }
0x3e: {  	v1 =	vld [tilespmem:$0x2890];
	_ =	sdelay $0x4  }
0x3f: {  	[tilespmem:v0+s2+$0x0] =	vst.idx.msk vm5, v1  }
0x40: {  	v0 =	vld [tilespmem:$0x20A0];
	_ =	sdelay $0x4  }
0x41: {  	vm6 =	vlt.s32 v0, $0x2000  }
0x42: {  	v1 =	vld [tilespmem:$0x28A0];
	_ =	sdelay $0x4  }
0x43: {  	[tilespmem:v0+s2+$0x0] =	vst.idx.msk vm6, v1  }
0x44: {  	v0 =	vld [tilespmem:$0x20B0];
	_ =	sdelay $0x4  }
0x45: {  	vm7 =	vlt.s32 v0, $0x2000  }
0x46: {  	v1 =	vld [tilespmem:$0x28B0];
	_ =	sdelay $0x4  }
0x47: {  	[tilespmem:v0+s2+$0x0] =	vst.idx.msk vm7, v1  }
0x48: {  	v0 =	vld [tilespmem:$0x20C0];
	_ =	sdelay $0x4  }
0x49: {  	vm8 =	vlt.s32 v0, $0x2000  }
0x4a: {  	v1 =	vld [tilespmem:$0x28C0];
	_ =	sdelay $0x4  }
0x4b: {  	[tilespmem:v0+s2+$0x0] =	vst.idx.msk vm8, v1  }
0x4c: {  	v0 =	vld [tilespmem:$0x20D0];
	_ =	sdelay $0x4  }
0x4d: {  	vm9 =	vlt.s32 v0, $0x2000  }
0x4e: {  	v1 =	vld [tilespmem:$0x28D0];
	_ =	sdelay $0x4  }
0x4f: {  	[tilespmem:v0+s2+$0x0] =	vst.idx.msk vm9, v1  }
0x50: {  	v0 =	vld [tilespmem:$0x20E0];
	_ =	sdelay $0x4  }
0x51: {  	vm10 =	vlt.s32 v0, $0x2000  }
0x52: {  	v1 =	vld [tilespmem:$0x28E0];
	_ =	sdelay $0x4  }
0x53: {  	[tilespmem:v0+s2+$0x0] =	vst.idx.msk vm10, v1  }
0x54: {  	v0 =	vld [tilespmem:$0x20F0];
	_ =	sdelay $0x4  }
0x55: {  	vm11 =	vlt.s32 v0, $0x2000  }
0x56: {  	v1 =	vld [tilespmem:$0x28F0];
	_ =	sdelay $0x4  }
0x57: {  	[tilespmem:v0+s2+$0x0] =	vst.idx.msk vm11, v1  }
0x58: {  	v0 =	vld [tilespmem:$0x2100];
	_ =	sdelay $0x4  }
0x59: {  	vm12 =	vlt.s32 v0, $0x2000  }
0x5a: {  	v1 =	vld [tilespmem:$0x2900];
	_ =	sdelay $0x4  }
0x5b: {  	[tilespmem:v0+s2+$0x0] =	vst.idx.msk vm12, v1  }
0x5c: {  	v0 =	vld [tilespmem:$0x2110];
	_ =	sdelay $0x4  }
0x5d: {  	vm13 =	vlt.s32 v0, $0x2000  }
0x5e: {  	v1 =	vld [tilespmem:$0x2910];
	_ =	sdelay $0x4  }
0x5f: {  	[tilespmem:v0+s2+$0x0] =	vst.idx.msk vm13, v1  }
0x60: {  	v0 =	vld [tilespmem:$0x2120];
	_ =	sdelay $0x4  }
0x61: {  	vm14 =	vlt.s32 v0, $0x2000  }
0x62: {  	v1 =	vld [tilespmem:$0x2920];
	_ =	sdelay $0x4  }
0x63: {  	[tilespmem:v0+s2+$0x0] =	vst.idx.msk vm14, v1  }
0x64: {  	v0 =	vld [tilespmem:$0x2130];
	_ =	sdelay $0x4  }
0x65: {  	vm15 =	vlt.s32 v0, $0x2000  }
0x66: {  	v1 =	vld [tilespmem:$0x2930];
	_ =	sdelay $0x4  }
0x67: {  	[tilespmem:v0+s2+$0x0] =	vst.idx.msk vm15, v1  }
0x68: {  	v0 =	vld [tilespmem:$0x2140];
	_ =	sdelay $0x4  }
0x69: {  	vm4 =	vlt.s32 v0, $0x2000  }
0x6a: {  	v1 =	vld [tilespmem:$0x2940];
	_ =	sdelay $0x4  }
0x6b: {  	[tilespmem:v0+s2+$0x0] =	vst.idx.msk vm4, v1  }
0x6c: {  	v0 =	vld [tilespmem:$0x2150];
	_ =	sdelay $0x4  }
0x6d: {  	vm5 =	vlt.s32 v0, $0x2000  }
0x6e: {  	v1 =	vld [tilespmem:$0x2950];
	_ =	sdelay $0x4  }
0x6f: {  	[tilespmem:v0+s2+$0x0] =	vst.idx.msk vm5, v1  }
0x70: {  	v0 =	vld [tilespmem:$0x2160];
	_ =	sdelay $0x4  }
0x71: {  	vm6 =	vlt.s32 v0, $0x2000  }
0x72: {  	v1 =	vld [tilespmem:$0x2960];
	_ =	sdelay $0x4  }
0x73: {  	[tilespmem:v0+s2+$0x0] =	vst.idx.msk vm6, v1  }
0x74: {  	v0 =	vld [tilespmem:$0x2170];
	_ =	sdelay $0x4  }
0x75: {  	vm7 =	vlt.s32 v0, $0x2000  }
0x76: {  	v1 =	vld [tilespmem:$0x2970];
	_ =	sdelay $0x4  }
0x77: {  	[tilespmem:v0+s2+$0x0] =	vst.idx.msk vm7, v1  }
0x78: {  	v0 =	vld [tilespmem:$0x2180];
	_ =	sdelay $0x4  }
0x79: {  	vm8 =	vlt.s32 v0, $0x2000  }
0x7a: {  	v1 =	vld [tilespmem:$0x2980];
	_ =	sdelay $0x4  }
0x7b: {  	[tilespmem:v0+s2+$0x0] =	vst.idx.msk vm8, v1  }
0x7c: {  	v0 =	vld [tilespmem:$0x2190];
	_ =	sdelay $0x4  }
0x7d: {  	vm9 =	vlt.s32 v0, $0x2000  }
0x7e: {  	v1 =	vld [tilespmem:$0x2990];
	_ =	sdelay $0x4  }
0x7f: {  	[tilespmem:v0+s2+$0x0] =	vst.idx.msk vm9, v1  }
0x80: {  	v0 =	vld [tilespmem:$0x21A0];
	_ =	sdelay $0x4  }
0x81: {  	vm10 =	vlt.s32 v0, $0x2000  }
0x82: {  	v1 =	vld [tilespmem:$0x29A0];
	_ =	sdelay $0x4  }
0x83: {  	[tilespmem:v0+s2+$0x0] =	vst.idx.msk vm10, v1  }
0x84: {  	v0 =	vld [tilespmem:$0x21B0];
	_ =	sdelay $0x4  }
0x85: {  	vm11 =	vlt.s32 v0, $0x2000  }
0x86: {  	v1 =	vld [tilespmem:$0x29B0];
	_ =	sdelay $0x4  }
0x87: {  	[tilespmem:v0+s2+$0x0] =	vst.idx.msk vm11, v1  }
0x88: {  	v0 =	vld [tilespmem:$0x21C0];
	_ =	sdelay $0x4  }
0x89: {  	vm12 =	vlt.s32 v0, $0x2000  }
0x8a: {  	v1 =	vld [tilespmem:$0x29C0];
	_ =	sdelay $0x4  }
0x8b: {  	[tilespmem:v0+s2+$0x0] =	vst.idx.msk vm12, v1  }
0x8c: {  	v0 =	vld [tilespmem:$0x21D0];
	_ =	sdelay $0x4  }
0x8d: {  	vm13 =	vlt.s32 v0, $0x2000  }
0x8e: {  	v1 =	vld [tilespmem:$0x29D0];
	_ =	sdelay $0x4  }
0x8f: {  	[tilespmem:v0+s2+$0x0] =	vst.idx.msk vm13, v1  }
0x90: {  	v0 =	vld [tilespmem:$0x21E0];
	_ =	sdelay $0x4  }
0x91: {  	vm14 =	vlt.s32 v0, $0x2000  }
0x92: {  	v1 =	vld [tilespmem:$0x29E0];
	_ =	sdelay $0x4  }
0x93: {  	[tilespmem:v0+s2+$0x0] =	vst.idx.msk vm14, v1  }
0x94: {  	v0 =	vld [tilespmem:$0x21F0];
	_ =	sdelay $0x4  }
0x95: {  	vm15 =	vlt.s32 v0, $0x2000  }
0x96: {  	v1 =	vld [tilespmem:$0x29F0];
	_ =	sdelay $0x4  }
0x97: {  	[tilespmem:v0+s2+$0x0] =	vst.idx.msk vm15, v1  }
0x98: {  	v0 =	vld [tilespmem:$0x2200];
	_ =	sdelay $0x4  }
0x99: {  	vm4 =	vlt.s32 v0, $0x2000  }
0x9a: {  	v1 =	vld [tilespmem:$0x2A00];
	_ =	sdelay $0x4  }
0x9b: {  	[tilespmem:v0+s2+$0x0] =	vst.idx.msk vm4, v1  }
0x9c: {  	v0 =	vld [tilespmem:$0x2210];
	_ =	sdelay $0x4  }
0x9d: {  	vm5 =	vlt.s32 v0, $0x2000  }
0x9e: {  	v1 =	vld [tilespmem:$0x2A10];
	_ =	sdelay $0x4  }
0x9f: {  	[tilespmem:v0+s2+$0x0] =	vst.idx.msk vm5, v1  }
0xa0: {  	v0 =	vld [tilespmem:$0x2220];
	_ =	sdelay $0x4  }
0xa1: {  	vm6 =	vlt.s32 v0, $0x2000  }
0xa2: {  	v1 =	vld [tilespmem:$0x2A20];
	_ =	sdelay $0x4  }
0xa3: {  	[tilespmem:v0+s2+$0x0] =	vst.idx.msk vm6, v1  }
0xa4: {  	v0 =	vld [tilespmem:$0x2230];
	_ =	sdelay $0x4  }
0xa5: {  	vm7 =	vlt.s32 v0, $0x2000  }
0xa6: {  	v1 =	vld [tilespmem:$0x2A30];
	_ =	sdelay $0x4  }
0xa7: {  	[tilespmem:v0+s2+$0x0] =	vst.idx.msk vm7, v1  }
0xa8: {  	v0 =	vld [tilespmem:$0x2240];
	_ =	sdelay $0x4  }
0xa9: {  	vm8 =	vlt.s32 v0, $0x2000  }
0xaa: {  	v1 =	vld [tilespmem:$0x2A40];
	_ =	sdelay $0x4  }
0xab: {  	[tilespmem:v0+s2+$0x0] =	vst.idx.msk vm8, v1  }
0xac: {  	v0 =	vld [tilespmem:$0x2250];
	_ =	sdelay $0x4  }
0xad: {  	vm9 =	vlt.s32 v0, $0x2000  }
0xae: {  	v1 =	vld [tilespmem:$0x2A50];
	_ =	sdelay $0x4  }
0xaf: {  	[tilespmem:v0+s2+$0x0] =	vst.idx.msk vm9, v1  }
0xb0: {  	v0 =	vld [tilespmem:$0x2260];
	_ =	sdelay $0x4  }
0xb1: {  	vm10 =	vlt.s32 v0, $0x2000  }
0xb2: {  	v1 =	vld [tilespmem:$0x2A60];
	_ =	sdelay $0x4  }
0xb3: {  	[tilespmem:v0+s2+$0x0] =	vst.idx.msk vm10, v1  }
0xb4: {  	v0 =	vld [tilespmem:$0x2270];
	_ =	sdelay $0x4  }
0xb5: {  	vm11 =	vlt.s32 v0, $0x2000  }
0xb6: {  	v1 =	vld [tilespmem:$0x2A70];
	_ =	sdelay $0x4  }
0xb7: {  	[tilespmem:v0+s2+$0x0] =	vst.idx.msk vm11, v1  }
0xb8: {  	v0 =	vld [tilespmem:$0x2280];
	_ =	sdelay $0x4  }
0xb9: {  	vm12 =	vlt.s32 v0, $0x2000  }
0xba: {  	v1 =	vld [tilespmem:$0x2A80];
	_ =	sdelay $0x4  }
0xbb: {  	[tilespmem:v0+s2+$0x0] =	vst.idx.msk vm12, v1  }
0xbc: {  	v0 =	vld [tilespmem:$0x2290];
	_ =	sdelay $0x4  }
0xbd: {  	vm13 =	vlt.s32 v0, $0x2000  }
0xbe: {  	v1 =	vld [tilespmem:$0x2A90];
	_ =	sdelay $0x4  }
0xbf: {  	[tilespmem:v0+s2+$0x0] =	vst.idx.msk vm13, v1  }
0xc0: {  	v0 =	vld [tilespmem:$0x22A0];
	_ =	sdelay $0x4  }
0xc1: {  	vm14 =	vlt.s32 v0, $0x2000  }
0xc2: {  	v1 =	vld [tilespmem:$0x2AA0];
	_ =	sdelay $0x4  }
0xc3: {  	[tilespmem:v0+s2+$0x0] =	vst.idx.msk vm14, v1  }
0xc4: {  	v0 =	vld [tilespmem:$0x22B0];
	_ =	sdelay $0x4  }
0xc5: {  	vm15 =	vlt.s32 v0, $0x2000  }
0xc6: {  	v1 =	vld [tilespmem:$0x2AB0];
	_ =	sdelay $0x4  }
0xc7: {  	[tilespmem:v0+s2+$0x0] =	vst.idx.msk vm15, v1  }
0xc8: {  	v0 =	vld [tilespmem:$0x22C0];
	_ =	sdelay $0x4  }
0xc9: {  	vm4 =	vlt.s32 v0, $0x2000  }
0xca: {  	v1 =	vld [tilespmem:$0x2AC0];
	_ =	sdelay $0x4  }
0xcb: {  	[tilespmem:v0+s2+$0x0] =	vst.idx.msk vm4, v1  }
0xcc: {  	v0 =	vld [tilespmem:$0x22D0];
	_ =	sdelay $0x4  }
0xcd: {  	vm5 =	vlt.s32 v0, $0x2000  }
0xce: {  	v1 =	vld [tilespmem:$0x2AD0];
	_ =	sdelay $0x4  }
0xcf: {  	[tilespmem:v0+s2+$0x0] =	vst.idx.msk vm5, v1  }
0xd0: {  	v0 =	vld [tilespmem:$0x22E0];
	_ =	sdelay $0x4  }
0xd1: {  	vm6 =	vlt.s32 v0, $0x2000  }
0xd2: {  	v1 =	vld [tilespmem:$0x2AE0];
	_ =	sdelay $0x4  }
0xd3: {  	[tilespmem:v0+s2+$0x0] =	vst.idx.msk vm6, v1  }
0xd4: {  	v0 =	vld [tilespmem:$0x22F0];
	_ =	sdelay $0x4  }
0xd5: {  	vm7 =	vlt.s32 v0, $0x2000  }
0xd6: {  	v1 =	vld [tilespmem:$0x2AF0];
	_ =	sdelay $0x4  }
0xd7: {  	[tilespmem:v0+s2+$0x0] =	vst.idx.msk vm7, v1  }
0xd8: {  	v0 =	vld [tilespmem:$0x2300];
	_ =	sdelay $0x4  }
0xd9: {  	vm8 =	vlt.s32 v0, $0x2000  }
0xda: {  	v1 =	vld [tilespmem:$0x2B00];
	_ =	sdelay $0x4  }
0xdb: {  	[tilespmem:v0+s2+$0x0] =	vst.idx.msk vm8, v1  }
0xdc: {  	v0 =	vld [tilespmem:$0x2310];
	_ =	sdelay $0x4  }
0xdd: {  	vm9 =	vlt.s32 v0, $0x2000  }
0xde: {  	v1 =	vld [tilespmem:$0x2B10];
	_ =	sdelay $0x4  }
0xdf: {  	[tilespmem:v0+s2+$0x0] =	vst.idx.msk vm9, v1  }
0xe0: {  	v0 =	vld [tilespmem:$0x2320];
	_ =	sdelay $0x4  }
0xe1: {  	vm10 =	vlt.s32 v0, $0x2000  }
0xe2: {  	v1 =	vld [tilespmem:$0x2B20];
	_ =	sdelay $0x4  }
0xe3: {  	[tilespmem:v0+s2+$0x0] =	vst.idx.msk vm10, v1  }
0xe4: {  	v0 =	vld [tilespmem:$0x2330];
	_ =	sdelay $0x4  }
0xe5: {  	vm11 =	vlt.s32 v0, $0x2000  }
0xe6: {  	v1 =	vld [tilespmem:$0x2B30];
	_ =	sdelay $0x4  }
0xe7: {  	[tilespmem:v0+s2+$0x0] =	vst.idx.msk vm11, v1  }
0xe8: {  	v0 =	vld [tilespmem:$0x2340];
	_ =	sdelay $0x4  }
0xe9: {  	vm12 =	vlt.s32 v0, $0x2000  }
0xea: {  	v1 =	vld [tilespmem:$0x2B40];
	_ =	sdelay $0x4  }
0xeb: {  	[tilespmem:v0+s2+$0x0] =	vst.idx.msk vm12, v1  }
0xec: {  	v0 =	vld [tilespmem:$0x2350];
	_ =	sdelay $0x4  }
0xed: {  	vm13 =	vlt.s32 v0, $0x2000  }
0xee: {  	v1 =	vld [tilespmem:$0x2B50];
	_ =	sdelay $0x4  }
0xef: {  	[tilespmem:v0+s2+$0x0] =	vst.idx.msk vm13, v1  }
0xf0: {  	v0 =	vld [tilespmem:$0x2360];
	_ =	sdelay $0x4  }
0xf1: {  	vm14 =	vlt.s32 v0, $0x2000  }
0xf2: {  	v1 =	vld [tilespmem:$0x2B60];
	_ =	sdelay $0x4  }
0xf3: {  	[tilespmem:v0+s2+$0x0] =	vst.idx.msk vm14, v1  }
0xf4: {  	v0 =	vld [tilespmem:$0x2370];
	_ =	sdelay $0x4  }
0xf5: {  	vm15 =	vlt.s32 v0, $0x2000  }
0xf6: {  	v1 =	vld [tilespmem:$0x2B70];
	_ =	sdelay $0x4  }
0xf7: {  	[tilespmem:v0+s2+$0x0] =	vst.idx.msk vm15, v1  }
0xf8: {  	v0 =	vld [tilespmem:$0x2380];
	_ =	sdelay $0x4  }
0xf9: {  	vm4 =	vlt.s32 v0, $0x2000  }
0xfa: {  	v1 =	vld [tilespmem:$0x2B80];
	_ =	sdelay $0x4  }
0xfb: {  	[tilespmem:v0+s2+$0x0] =	vst.idx.msk vm4, v1  }
0xfc: {  	v0 =	vld [tilespmem:$0x2390];
	_ =	sdelay $0x4  }
0xfd: {  	vm5 =	vlt.s32 v0, $0x2000  }
0xfe: {  	v1 =	vld [tilespmem:$0x2B90];
	_ =	sdelay $0x4  }
0xff: {  	[tilespmem:v0+s2+$0x0] =	vst.idx.msk vm5, v1  }
0x100: {  	v0 =	vld [tilespmem:$0x23A0];
	_ =	sdelay $0x4  }
0x101: {  	vm6 =	vlt.s32 v0, $0x2000  }
0x102: {  	v1 =	vld [tilespmem:$0x2BA0];
	_ =	sdelay $0x4  }
0x103: {  	[tilespmem:v0+s2+$0x0] =	vst.idx.msk vm6, v1  }
0x104: {  	v0 =	vld [tilespmem:$0x23B0];
	_ =	sdelay $0x4  }
0x105: {  	vm7 =	vlt.s32 v0, $0x2000  }
0x106: {  	v1 =	vld [tilespmem:$0x2BB0];
	_ =	sdelay $0x4  }
0x107: {  	[tilespmem:v0+s2+$0x0] =	vst.idx.msk vm7, v1  }
0x108: {  	v0 =	vld [tilespmem:$0x23C0];
	_ =	sdelay $0x4  }
0x109: {  	vm8 =	vlt.s32 v0, $0x2000  }
0x10a: {  	v1 =	vld [tilespmem:$0x2BC0];
	_ =	sdelay $0x4  }
0x10b: {  	[tilespmem:v0+s2+$0x0] =	vst.idx.msk vm8, v1  }
0x10c: {  	v0 =	vld [tilespmem:$0x23D0];
	_ =	sdelay $0x4  }
0x10d: {  	vm9 =	vlt.s32 v0, $0x2000  }
0x10e: {  	v1 =	vld [tilespmem:$0x2BD0];
	_ =	sdelay $0x4  }
0x10f: {  	[tilespmem:v0+s2+$0x0] =	vst.idx.msk vm9, v1  }
0x110: {  	v0 =	vld [tilespmem:$0x23E0];
	_ =	sdelay $0x4  }
0x111: {  	vm10 =	vlt.s32 v0, $0x2000  }
0x112: {  	v1 =	vld [tilespmem:$0x2BE0];
	_ =	sdelay $0x4  }
0x113: {  	[tilespmem:v0+s2+$0x0] =	vst.idx.msk vm10, v1  }
0x114: {  	v0 =	vld [tilespmem:$0x23F0];
	_ =	sdelay $0x4  }
0x115: {  	vm11 =	vlt.s32 v0, $0x2000  }
0x116: {  	v1 =	vld [tilespmem:$0x2BF0];
	_ =	sdelay $0x4  }
0x117: {  	[tilespmem:v0+s2+$0x0] =	vst.idx.msk vm11, v1  }
0x118: {  	v0 =	vld [tilespmem:$0x2400];
	_ =	sdelay $0x4  }
0x119: {  	vm12 =	vlt.s32 v0, $0x2000  }
0x11a: {  	v1 =	vld [tilespmem:$0x2C00];
	_ =	sdelay $0x4  }
0x11b: {  	[tilespmem:v0+s2+$0x0] =	vst.idx.msk vm12, v1  }
0x11c: {  	v0 =	vld [tilespmem:$0x2410];
	_ =	sdelay $0x4  }
0x11d: {  	vm13 =	vlt.s32 v0, $0x2000  }
0x11e: {  	v1 =	vld [tilespmem:$0x2C10];
	_ =	sdelay $0x4  }
0x11f: {  	[tilespmem:v0+s2+$0x0] =	vst.idx.msk vm13, v1  }
0x120: {  	v0 =	vld [tilespmem:$0x2420];
	_ =	sdelay $0x4  }
0x121: {  	vm14 =	vlt.s32 v0, $0x2000  }
0x122: {  	v1 =	vld [tilespmem:$0x2C20];
	_ =	sdelay $0x4  }
0x123: {  	[tilespmem:v0+s2+$0x0] =	vst.idx.msk vm14, v1  }
0x124: {  	v0 =	vld [tilespmem:$0x2430];
	_ =	sdelay $0x4  }
0x125: {  	vm15 =	vlt.s32 v0, $0x2000  }
0x126: {  	v1 =	vld [tilespmem:$0x2C30];
	_ =	sdelay $0x4  }
0x127: {  	[tilespmem:v0+s2+$0x0] =	vst.idx.msk vm15, v1  }
0x128: {  	v0 =	vld [tilespmem:$0x2440];
	_ =	sdelay $0x4  }
0x129: {  	vm4 =	vlt.s32 v0, $0x2000  }
0x12a: {  	v1 =	vld [tilespmem:$0x2C40];
	_ =	sdelay $0x4  }
0x12b: {  	[tilespmem:v0+s2+$0x0] =	vst.idx.msk vm4, v1  }
0x12c: {  	v0 =	vld [tilespmem:$0x2450];
	_ =	sdelay $0x4  }
0x12d: {  	vm5 =	vlt.s32 v0, $0x2000  }
0x12e: {  	v1 =	vld [tilespmem:$0x2C50];
	_ =	sdelay $0x4  }
0x12f: {  	[tilespmem:v0+s2+$0x0] =	vst.idx.msk vm5, v1  }
0x130: {  	v0 =	vld [tilespmem:$0x2460];
	_ =	sdelay $0x4  }
0x131: {  	vm6 =	vlt.s32 v0, $0x2000  }
0x132: {  	v1 =	vld [tilespmem:$0x2C60];
	_ =	sdelay $0x4  }
0x133: {  	[tilespmem:v0+s2+$0x0] =	vst.idx.msk vm6, v1  }
0x134: {  	v0 =	vld [tilespmem:$0x2470];
	_ =	sdelay $0x4  }
0x135: {  	vm7 =	vlt.s32 v0, $0x2000  }
0x136: {  	v1 =	vld [tilespmem:$0x2C70];
	_ =	sdelay $0x4  }
0x137: {  	[tilespmem:v0+s2+$0x0] =	vst.idx.msk vm7, v1  }
0x138: {  	v0 =	vld [tilespmem:$0x2480];
	_ =	sdelay $0x4  }
0x139: {  	vm8 =	vlt.s32 v0, $0x2000  }
0x13a: {  	v1 =	vld [tilespmem:$0x2C80];
	_ =	sdelay $0x4  }
0x13b: {  	[tilespmem:v0+s2+$0x0] =	vst.idx.msk vm8, v1  }
0x13c: {  	v0 =	vld [tilespmem:$0x2490];
	_ =	sdelay $0x4  }
0x13d: {  	vm9 =	vlt.s32 v0, $0x2000  }
0x13e: {  	v1 =	vld [tilespmem:$0x2C90];
	_ =	sdelay $0x4  }
0x13f: {  	[tilespmem:v0+s2+$0x0] =	vst.idx.msk vm9, v1  }
0x140: {  	v0 =	vld [tilespmem:$0x24A0];
	_ =	sdelay $0x4  }
0x141: {  	vm10 =	vlt.s32 v0, $0x2000  }
0x142: {  	v1 =	vld [tilespmem:$0x2CA0];
	_ =	sdelay $0x4  }
0x143: {  	[tilespmem:v0+s2+$0x0] =	vst.idx.msk vm10, v1  }
0x144: {  	v0 =	vld [tilespmem:$0x24B0];
	_ =	sdelay $0x4  }
0x145: {  	vm11 =	vlt.s32 v0, $0x2000  }
0x146: {  	v1 =	vld [tilespmem:$0x2CB0];
	_ =	sdelay $0x4  }
0x147: {  	[tilespmem:v0+s2+$0x0] =	vst.idx.msk vm11, v1  }
0x148: {  	v0 =	vld [tilespmem:$0x24C0];
	_ =	sdelay $0x4  }
0x149: {  	vm12 =	vlt.s32 v0, $0x2000  }
0x14a: {  	v1 =	vld [tilespmem:$0x2CC0];
	_ =	sdelay $0x4  }
0x14b: {  	[tilespmem:v0+s2+$0x0] =	vst.idx.msk vm12, v1  }
0x14c: {  	v0 =	vld [tilespmem:$0x24D0];
	_ =	sdelay $0x4  }
0x14d: {  	vm13 =	vlt.s32 v0, $0x2000  }
0x14e: {  	v1 =	vld [tilespmem:$0x2CD0];
	_ =	sdelay $0x4  }
0x14f: {  	[tilespmem:v0+s2+$0x0] =	vst.idx.msk vm13, v1  }
0x150: {  	v0 =	vld [tilespmem:$0x24E0];
	_ =	sdelay $0x4  }
0x151: {  	vm14 =	vlt.s32 v0, $0x2000  }
0x152: {  	v1 =	vld [tilespmem:$0x2CE0];
	_ =	sdelay $0x4  }
0x153: {  	[tilespmem:v0+s2+$0x0] =	vst.idx.msk vm14, v1  }
0x154: {  	v0 =	vld [tilespmem:$0x24F0];
	_ =	sdelay $0x4  }
0x155: {  	vm15 =	vlt.s32 v0, $0x2000  }
0x156: {  	v1 =	vld [tilespmem:$0x2CF0];
	_ =	sdelay $0x4  }
0x157: {  	[tilespmem:v0+s2+$0x0] =	vst.idx.msk vm15, v1  }
0x158: {  	v0 =	vld [tilespmem:$0x2500];
	_ =	sdelay $0x4  }
0x159: {  	vm4 =	vlt.s32 v0, $0x2000  }
0x15a: {  	v1 =	vld [tilespmem:$0x2D00];
	_ =	sdelay $0x4  }
0x15b: {  	[tilespmem:v0+s2+$0x0] =	vst.idx.msk vm4, v1  }
0x15c: {  	v0 =	vld [tilespmem:$0x2510];
	_ =	sdelay $0x4  }
0x15d: {  	vm5 =	vlt.s32 v0, $0x2000  }
0x15e: {  	v1 =	vld [tilespmem:$0x2D10];
	_ =	sdelay $0x4  }
0x15f: {  	[tilespmem:v0+s2+$0x0] =	vst.idx.msk vm5, v1  }
0x160: {  	v0 =	vld [tilespmem:$0x2520];
	_ =	sdelay $0x4  }
0x161: {  	vm6 =	vlt.s32 v0, $0x2000  }
0x162: {  	v1 =	vld [tilespmem:$0x2D20];
	_ =	sdelay $0x4  }
0x163: {  	[tilespmem:v0+s2+$0x0] =	vst.idx.msk vm6, v1  }
0x164: {  	v0 =	vld [tilespmem:$0x2530];
	_ =	sdelay $0x4  }
0x165: {  	vm7 =	vlt.s32 v0, $0x2000  }
0x166: {  	v1 =	vld [tilespmem:$0x2D30];
	_ =	sdelay $0x4  }
0x167: {  	[tilespmem:v0+s2+$0x0] =	vst.idx.msk vm7, v1  }
0x168: {  	v0 =	vld [tilespmem:$0x2540];
	_ =	sdelay $0x4  }
0x169: {  	vm8 =	vlt.s32 v0, $0x2000  }
0x16a: {  	v1 =	vld [tilespmem:$0x2D40];
	_ =	sdelay $0x4  }
0x16b: {  	[tilespmem:v0+s2+$0x0] =	vst.idx.msk vm8, v1  }
0x16c: {  	v0 =	vld [tilespmem:$0x2550];
	_ =	sdelay $0x4  }
0x16d: {  	vm9 =	vlt.s32 v0, $0x2000  }
0x16e: {  	v1 =	vld [tilespmem:$0x2D50];
	_ =	sdelay $0x4  }
0x16f: {  	[tilespmem:v0+s2+$0x0] =	vst.idx.msk vm9, v1  }
0x170: {  	v0 =	vld [tilespmem:$0x2560];
	_ =	sdelay $0x4  }
0x171: {  	vm10 =	vlt.s32 v0, $0x2000  }
0x172: {  	v1 =	vld [tilespmem:$0x2D60];
	_ =	sdelay $0x4  }
0x173: {  	[tilespmem:v0+s2+$0x0] =	vst.idx.msk vm10, v1  }
0x174: {  	v0 =	vld [tilespmem:$0x2570];
	_ =	sdelay $0x4  }
0x175: {  	vm11 =	vlt.s32 v0, $0x2000  }
0x176: {  	v1 =	vld [tilespmem:$0x2D70];
	_ =	sdelay $0x4  }
0x177: {  	[tilespmem:v0+s2+$0x0] =	vst.idx.msk vm11, v1  }
0x178: {  	v0 =	vld [tilespmem:$0x2580];
	_ =	sdelay $0x4  }
0x179: {  	vm12 =	vlt.s32 v0, $0x2000  }
0x17a: {  	v1 =	vld [tilespmem:$0x2D80];
	_ =	sdelay $0x4  }
0x17b: {  	[tilespmem:v0+s2+$0x0] =	vst.idx.msk vm12, v1  }
0x17c: {  	v0 =	vld [tilespmem:$0x2590];
	_ =	sdelay $0x4  }
0x17d: {  	vm13 =	vlt.s32 v0, $0x2000  }
0x17e: {  	v1 =	vld [tilespmem:$0x2D90];
	_ =	sdelay $0x4  }
0x17f: {  	[tilespmem:v0+s2+$0x0] =	vst.idx.msk vm13, v1  }
0x180: {  	v0 =	vld [tilespmem:$0x25A0];
	_ =	sdelay $0x4  }
0x181: {  	vm14 =	vlt.s32 v0, $0x2000  }
0x182: {  	v1 =	vld [tilespmem:$0x2DA0];
	_ =	sdelay $0x4  }
0x183: {  	[tilespmem:v0+s2+$0x0] =	vst.idx.msk vm14, v1  }
0x184: {  	v0 =	vld [tilespmem:$0x25B0];
	_ =	sdelay $0x4  }
0x185: {  	vm15 =	vlt.s32 v0, $0x2000  }
0x186: {  	v1 =	vld [tilespmem:$0x2DB0];
	_ =	sdelay $0x4  }
0x187: {  	[tilespmem:v0+s2+$0x0] =	vst.idx.msk vm15, v1  }
0x188: {  	v0 =	vld [tilespmem:$0x25C0];
	_ =	sdelay $0x4  }
0x189: {  	vm4 =	vlt.s32 v0, $0x2000  }
0x18a: {  	v1 =	vld [tilespmem:$0x2DC0];
	_ =	sdelay $0x4  }
0x18b: {  	[tilespmem:v0+s2+$0x0] =	vst.idx.msk vm4, v1  }
0x18c: {  	v0 =	vld [tilespmem:$0x25D0];
	_ =	sdelay $0x4  }
0x18d: {  	vm5 =	vlt.s32 v0, $0x2000  }
0x18e: {  	v1 =	vld [tilespmem:$0x2DD0];
	_ =	sdelay $0x4  }
0x18f: {  	[tilespmem:v0+s2+$0x0] =	vst.idx.msk vm5, v1  }
0x190: {  	v0 =	vld [tilespmem:$0x25E0];
	_ =	sdelay $0x4  }
0x191: {  	vm6 =	vlt.s32 v0, $0x2000  }
0x192: {  	v1 =	vld [tilespmem:$0x2DE0];
	_ =	sdelay $0x4  }
0x193: {  	[tilespmem:v0+s2+$0x0] =	vst.idx.msk vm6, v1  }
0x194: {  	v0 =	vld [tilespmem:$0x25F0];
	_ =	sdelay $0x4  }
0x195: {  	vm7 =	vlt.s32 v0, $0x2000  }
0x196: {  	v1 =	vld [tilespmem:$0x2DF0];
	_ =	sdelay $0x4  }
0x197: {  	[tilespmem:v0+s2+$0x0] =	vst.idx.msk vm7, v1  }
0x198: {  	v0 =	vld [tilespmem:$0x2600];
	_ =	sdelay $0x4  }
0x199: {  	vm8 =	vlt.s32 v0, $0x2000  }
0x19a: {  	v1 =	vld [tilespmem:$0x2E00];
	_ =	sdelay $0x4  }
0x19b: {  	[tilespmem:v0+s2+$0x0] =	vst.idx.msk vm8, v1  }
0x19c: {  	v0 =	vld [tilespmem:$0x2610];
	_ =	sdelay $0x4  }
0x19d: {  	vm9 =	vlt.s32 v0, $0x2000  }
0x19e: {  	v1 =	vld [tilespmem:$0x2E10];
	_ =	sdelay $0x4  }
0x19f: {  	[tilespmem:v0+s2+$0x0] =	vst.idx.msk vm9, v1  }
0x1a0: {  	v0 =	vld [tilespmem:$0x2620];
	_ =	sdelay $0x4  }
0x1a1: {  	vm10 =	vlt.s32 v0, $0x2000  }
0x1a2: {  	v1 =	vld [tilespmem:$0x2E20];
	_ =	sdelay $0x4  }
0x1a3: {  	[tilespmem:v0+s2+$0x0] =	vst.idx.msk vm10, v1  }
0x1a4: {  	v0 =	vld [tilespmem:$0x2630];
	_ =	sdelay $0x4  }
0x1a5: {  	vm11 =	vlt.s32 v0, $0x2000  }
0x1a6: {  	v1 =	vld [tilespmem:$0x2E30];
	_ =	sdelay $0x4  }
0x1a7: {  	[tilespmem:v0+s2+$0x0] =	vst.idx.msk vm11, v1  }
0x1a8: {  	v0 =	vld [tilespmem:$0x2640];
	_ =	sdelay $0x4  }
0x1a9: {  	vm12 =	vlt.s32 v0, $0x2000  }
0x1aa: {  	v1 =	vld [tilespmem:$0x2E40];
	_ =	sdelay $0x4  }
0x1ab: {  	[tilespmem:v0+s2+$0x0] =	vst.idx.msk vm12, v1  }
0x1ac: {  	v0 =	vld [tilespmem:$0x2650];
	_ =	sdelay $0x4  }
0x1ad: {  	vm13 =	vlt.s32 v0, $0x2000  }
0x1ae: {  	v1 =	vld [tilespmem:$0x2E50];
	_ =	sdelay $0x4  }
0x1af: {  	[tilespmem:v0+s2+$0x0] =	vst.idx.msk vm13, v1  }
0x1b0: {  	v0 =	vld [tilespmem:$0x2660];
	_ =	sdelay $0x4  }
0x1b1: {  	vm14 =	vlt.s32 v0, $0x2000  }
0x1b2: {  	v1 =	vld [tilespmem:$0x2E60];
	_ =	sdelay $0x4  }
0x1b3: {  	[tilespmem:v0+s2+$0x0] =	vst.idx.msk vm14, v1  }
0x1b4: {  	v0 =	vld [tilespmem:$0x2670];
	_ =	sdelay $0x4  }
0x1b5: {  	vm15 =	vlt.s32 v0, $0x2000  }
0x1b6: {  	v1 =	vld [tilespmem:$0x2E70];
	_ =	sdelay $0x4  }
0x1b7: {  	[tilespmem:v0+s2+$0x0] =	vst.idx.msk vm15, v1  }
0x1b8: {  	v0 =	vld [tilespmem:$0x2680];
	_ =	sdelay $0x4  }
0x1b9: {  	vm4 =	vlt.s32 v0, $0x2000  }
0x1ba: {  	v1 =	vld [tilespmem:$0x2E80];
	_ =	sdelay $0x4  }
0x1bb: {  	[tilespmem:v0+s2+$0x0] =	vst.idx.msk vm4, v1  }
0x1bc: {  	v0 =	vld [tilespmem:$0x2690];
	_ =	sdelay $0x4  }
0x1bd: {  	vm5 =	vlt.s32 v0, $0x2000  }
0x1be: {  	v1 =	vld [tilespmem:$0x2E90];
	_ =	sdelay $0x4  }
0x1bf: {  	[tilespmem:v0+s2+$0x0] =	vst.idx.msk vm5, v1  }
0x1c0: {  	v0 =	vld [tilespmem:$0x26A0];
	_ =	sdelay $0x4  }
0x1c1: {  	vm6 =	vlt.s32 v0, $0x2000  }
0x1c2: {  	v1 =	vld [tilespmem:$0x2EA0];
	_ =	sdelay $0x4  }
0x1c3: {  	[tilespmem:v0+s2+$0x0] =	vst.idx.msk vm6, v1  }
0x1c4: {  	v0 =	vld [tilespmem:$0x26B0];
	_ =	sdelay $0x4  }
0x1c5: {  	vm7 =	vlt.s32 v0, $0x2000  }
0x1c6: {  	v1 =	vld [tilespmem:$0x2EB0];
	_ =	sdelay $0x4  }
0x1c7: {  	[tilespmem:v0+s2+$0x0] =	vst.idx.msk vm7, v1  }
0x1c8: {  	v0 =	vld [tilespmem:$0x26C0];
	_ =	sdelay $0x4  }
0x1c9: {  	vm8 =	vlt.s32 v0, $0x2000  }
0x1ca: {  	v1 =	vld [tilespmem:$0x2EC0];
	_ =	sdelay $0x4  }
0x1cb: {  	[tilespmem:v0+s2+$0x0] =	vst.idx.msk vm8, v1  }
0x1cc: {  	v0 =	vld [tilespmem:$0x26D0];
	_ =	sdelay $0x4  }
0x1cd: {  	vm9 =	vlt.s32 v0, $0x2000  }
0x1ce: {  	v1 =	vld [tilespmem:$0x2ED0];
	_ =	sdelay $0x4  }
0x1cf: {  	[tilespmem:v0+s2+$0x0] =	vst.idx.msk vm9, v1  }
0x1d0: {  	v0 =	vld [tilespmem:$0x26E0];
	_ =	sdelay $0x4  }
0x1d1: {  	vm10 =	vlt.s32 v0, $0x2000  }
0x1d2: {  	v1 =	vld [tilespmem:$0x2EE0];
	_ =	sdelay $0x4  }
0x1d3: {  	[tilespmem:v0+s2+$0x0] =	vst.idx.msk vm10, v1  }
0x1d4: {  	v0 =	vld [tilespmem:$0x26F0];
	_ =	sdelay $0x4  }
0x1d5: {  	vm11 =	vlt.s32 v0, $0x2000  }
0x1d6: {  	v1 =	vld [tilespmem:$0x2EF0];
	_ =	sdelay $0x4  }
0x1d7: {  	[tilespmem:v0+s2+$0x0] =	vst.idx.msk vm11, v1  }
0x1d8: {  	v0 =	vld [tilespmem:$0x2700];
	_ =	sdelay $0x4  }
0x1d9: {  	vm12 =	vlt.s32 v0, $0x2000  }
0x1da: {  	v1 =	vld [tilespmem:$0x2F00];
	_ =	sdelay $0x4  }
0x1db: {  	[tilespmem:v0+s2+$0x0] =	vst.idx.msk vm12, v1  }
0x1dc: {  	v0 =	vld [tilespmem:$0x2710];
	_ =	sdelay $0x4  }
0x1dd: {  	vm13 =	vlt.s32 v0, $0x2000  }
0x1de: {  	v1 =	vld [tilespmem:$0x2F10];
	_ =	sdelay $0x4  }
0x1df: {  	[tilespmem:v0+s2+$0x0] =	vst.idx.msk vm13, v1  }
0x1e0: {  	v0 =	vld [tilespmem:$0x2720];
	_ =	sdelay $0x4  }
0x1e1: {  	vm14 =	vlt.s32 v0, $0x2000  }
0x1e2: {  	v1 =	vld [tilespmem:$0x2F20];
	_ =	sdelay $0x4  }
0x1e3: {  	[tilespmem:v0+s2+$0x0] =	vst.idx.msk vm14, v1  }
0x1e4: {  	v0 =	vld [tilespmem:$0x2730];
	_ =	sdelay $0x4  }
0x1e5: {  	vm15 =	vlt.s32 v0, $0x2000  }
0x1e6: {  	v1 =	vld [tilespmem:$0x2F30];
	_ =	sdelay $0x4  }
0x1e7: {  	[tilespmem:v0+s2+$0x0] =	vst.idx.msk vm15, v1  }
0x1e8: {  	v0 =	vld [tilespmem:$0x2740];
	_ =	sdelay $0x4  }
0x1e9: {  	vm4 =	vlt.s32 v0, $0x2000  }
0x1ea: {  	v1 =	vld [tilespmem:$0x2F40];
	_ =	sdelay $0x4  }
0x1eb: {  	[tilespmem:v0+s2+$0x0] =	vst.idx.msk vm4, v1  }
0x1ec: {  	v0 =	vld [tilespmem:$0x2750];
	_ =	sdelay $0x4  }
0x1ed: {  	vm5 =	vlt.s32 v0, $0x2000  }
0x1ee: {  	v1 =	vld [tilespmem:$0x2F50];
	_ =	sdelay $0x4  }
0x1ef: {  	[tilespmem:v0+s2+$0x0] =	vst.idx.msk vm5, v1  }
0x1f0: {  	v0 =	vld [tilespmem:$0x2760];
	_ =	sdelay $0x4  }
0x1f1: {  	vm6 =	vlt.s32 v0, $0x2000  }
0x1f2: {  	v1 =	vld [tilespmem:$0x2F60];
	_ =	sdelay $0x4  }
0x1f3: {  	[tilespmem:v0+s2+$0x0] =	vst.idx.msk vm6, v1  }
0x1f4: {  	v0 =	vld [tilespmem:$0x2770];
	_ =	sdelay $0x4  }
0x1f5: {  	vm7 =	vlt.s32 v0, $0x2000  }
0x1f6: {  	v1 =	vld [tilespmem:$0x2F70];
	_ =	sdelay $0x4  }
0x1f7: {  	[tilespmem:v0+s2+$0x0] =	vst.idx.msk vm7, v1  }
0x1f8: {  	v0 =	vld [tilespmem:$0x2780];
	_ =	sdelay $0x4  }
0x1f9: {  	vm8 =	vlt.s32 v0, $0x2000  }
0x1fa: {  	v1 =	vld [tilespmem:$0x2F80];
	_ =	sdelay $0x4  }
0x1fb: {  	[tilespmem:v0+s2+$0x0] =	vst.idx.msk vm8, v1  }
0x1fc: {  	v0 =	vld [tilespmem:$0x2790];
	_ =	sdelay $0x4  }
0x1fd: {  	vm9 =	vlt.s32 v0, $0x2000  }
0x1fe: {  	v1 =	vld [tilespmem:$0x2F90];
	_ =	sdelay $0x4  }
0x1ff: {  	[tilespmem:v0+s2+$0x0] =	vst.idx.msk vm9, v1  }
0x200: {  	v0 =	vld [tilespmem:$0x27A0];
	_ =	sdelay $0x4  }
0x201: {  	vm10 =	vlt.s32 v0, $0x2000  }
0x202: {  	v1 =	vld [tilespmem:$0x2FA0];
	_ =	sdelay $0x4  }
0x203: {  	[tilespmem:v0+s2+$0x0] =	vst.idx.msk vm10, v1  }
0x204: {  	v0 =	vld [tilespmem:$0x27B0];
	_ =	sdelay $0x4  }
0x205: {  	vm11 =	vlt.s32 v0, $0x2000  }
0x206: {  	v1 =	vld [tilespmem:$0x2FB0];
	_ =	sdelay $0x4  }
0x207: {  	[tilespmem:v0+s2+$0x0] =	vst.idx.msk vm11, v1  }
0x208: {  	v0 =	vld [tilespmem:$0x27C0];
	_ =	sdelay $0x4  }
0x209: {  	vm12 =	vlt.s32 v0, $0x2000  }
0x20a: {  	v1 =	vld [tilespmem:$0x2FC0];
	_ =	sdelay $0x4  }
0x20b: {  	[tilespmem:v0+s2+$0x0] =	vst.idx.msk vm12, v1  }
0x20c: {  	v0 =	vld [tilespmem:$0x27D0];
	_ =	sdelay $0x4  }
0x20d: {  	vm13 =	vlt.s32 v0, $0x2000  }
0x20e: {  	v1 =	vld [tilespmem:$0x2FD0];
	_ =	sdelay $0x4  }
0x20f: {  	[tilespmem:v0+s2+$0x0] =	vst.idx.msk vm13, v1  }
0x210: {  	v0 =	vld [tilespmem:$0x27E0];
	_ =	sdelay $0x4  }
0x211: {  	vm14 =	vlt.s32 v0, $0x2000  }
0x212: {  	v1 =	vld [tilespmem:$0x2FE0];
	_ =	sdelay $0x4  }
0x213: {  	[tilespmem:v0+s2+$0x0] =	vst.idx.msk vm14, v1  }
0x214: {  	v0 =	vld [tilespmem:$0x27F0];
	_ =	sdelay $0x4  }
0x215: {  	vm15 =	vlt.s32 v0, $0x2000  }
0x216: {  	v1 =	vld [tilespmem:$0x2FF0];
	_ =	sdelay $0x3  }
0x217: {  	p0 =	sne.s32 s7, $0x1  }
.Ltmp0:
0x218: {  	[tilespmem:v0+s2+$0x0] =	vst.idx.msk vm15, v1;
	(pc) =	sbr.rel @p0 .LBB2_1-.Ltmp0, $4  }
0x219: {  	[hbm4b:s6+s2] =	stream.linear.scatter [tilespmem:s2], [sflag:$0x1], $0x2000, $0x38;
	[tilespmem:$0x3000] =	vst v63  }
0x21a: {  	_ =	swait.ge [sflag:s8], $0x2000  }
0x21b: {  	[sflag:s8] =	ssyncset.done $0x0  }
0x21c: {  	s7 =	sadd.s32 $0xFFFFFFFF, s7;
	[sflag:s8] =	ssyncadd.s32 $0xFFFFE000  }
0x21d: {  	_ =	sfence.sel $0x180000  }
0x21e: {  	[bflag:$0x0] =	sbarrier.arrive $0xFFFF  }
0x21f: {  	p0 =	sne.s32 s1, $0x0;
	_ =	strace $0x90000047  }
0x220: {  	s0 =	sadd.s32 @!p0 $0x100000, s0;
	[bflag:$0x2] =	sbarrier.arrive $0xFFFF  }
0x221: {  	[sflag:s0] =	ssyncadd.tile.s32 @!p0 $0x1;
	_ =	shalt  }
.Lfunc_end2:
_tile_overlayer_lowered:
.L_overlay_start_2:
0x222: {  	(tag) =	ssettag $0x2  }
0x223: {  	s0 =	rddreg [dreg:$0x0];
	s2 =	stileid.u32  }
0x224: {  	s1 =	rddreg [dreg:$0x1];
	p0 =	sne.s32 s2, $0x0  }
0x225: {  	s3 =	rddreg [dreg:$0x2];
	[bflag:$0x3] =	sbarrier.arrive $0xFFFF;
	s2 =	simm.s32 @!p0 $0x1C01  }
0x226: {  	[timem:s3], [sflag:s2] =	dma.local @!p0 [hbm:s0], s1  }
0x227: {  	s0 =	simm.s32 @!p0 $0x1  }
0x228: {  	_ =	swait.ge @!p0 [sflag:s0], s1  }
0x229: {  	s1 =	ssub.s32 @!p0 $0x0, s1;
	[sflag:s0] =	ssyncset.done @!p0 $0x0  }
0x22a: {  	[sflag:s0] =	ssyncadd.s32 @!p0 s1  }
0x22b: {  	[bflag:$0x3] =	sbarrier.arrive $0xFFFF  }
0x22c: {  	_ =	shalt  }

</sc_bundles>
